<compile_context>
chip_gen: v7x
topology: tpu7x:2x2x1
jax: 0.10.2.dev20260603
libtpu: 0.0.44.dev20260713+nightly
codegen_flags: <defaults>
</compile_context>

<pallas_src>
import functools

import jax
import jax.numpy as jnp
from jax import lax
from jax.experimental import pallas as pl
from jax.experimental.pallas import tpu as pltpu
from jax.experimental.pallas import tpu_sc as plsc

_NC = 2
_NS = 16
_L = 16
_NW = _NC * _NS
_NCHUNKS = 8


@functools.cache
def _sc_lookup_call(n: int, conv_words: int):
    n_per_w = n // _NW
    assert n_per_w % (_NCHUNKS * _L) == 0, n
    c = n_per_w // _NCHUNKS
    mesh = plsc.VectorSubcoreMesh(core_axis_name="c", subcore_axis_name="s")

    @functools.partial(
        pl.kernel,
        out_type=jax.ShapeDtypeStruct((n,), jnp.int32),
        mesh=mesh,
        scratch_types=[
            pltpu.VMEM((conv_words,), jnp.int32),
            pltpu.VMEM((c,), jnp.int32),
            pltpu.VMEM((c,), jnp.int32),
            pltpu.VMEM((c,), jnp.int32),
            pltpu.VMEM((c,), jnp.int32),
            pltpu.SemaphoreType.DMA,
            pltpu.SemaphoreType.DMA,
            pltpu.SemaphoreType.DMA,
            pltpu.SemaphoreType.DMA,
        ],
        compiler_params=pltpu.CompilerParams(needs_layout_passes=False),
    )
    def body(sp_hbm, conv_hbm, out_hbm, conv_v, in0, in1, out0, out1,
             si0, si1, so0, so1):
        wid = lax.axis_index("s") * jnp.int32(_NC) + lax.axis_index("c")
        base = wid * jnp.int32(n_per_w)
        ins, outs = (in0, in1), (out0, out1)
        isems, osems = (si0, si1), (so0, so1)

        def in_copy(k):
            return pltpu.make_async_copy(
                sp_hbm.at[pl.ds(base + k * c, c)], ins[k % 2], isems[k % 2])

        def out_copy(k):
            return pltpu.make_async_copy(
                outs[k % 2], out_hbm.at[pl.ds(base + k * c, c)], osems[k % 2])

        in_copy(0).start()
        in_copy(1).start()
        pltpu.sync_copy(conv_hbm, conv_v)

        for k in range(_NCHUNKS):
            in_copy(k).wait()
            if k >= 2:
                out_copy(k - 2).wait()
            ib, ob = ins[k % 2], outs[k % 2]

            @plsc.parallel_loop(jnp.int32(0), jnp.int32(c),
                                step=jnp.int32(_L), unroll=8)
            def _(off):
                idx = ib[pl.ds(off, _L)]
                ob[pl.ds(off, _L)] = plsc.load_gather(conv_v, [idx])

            out_copy(k).start()
            if k + 2 < _NCHUNKS:
                in_copy(k + 2).start()

        out_copy(_NCHUNKS - 2).wait()
        out_copy(_NCHUNKS - 1).wait()

    return body


def kernel(species, coordinates, conv_tensor):
    shape = species.shape
    n = species.size
    conv16 = (
        jnp.zeros((_L,), jnp.int32)
        .at[: conv_tensor.shape[0]]
        .set(conv_tensor.astype(jnp.int32))
    )
    sp32 = species.reshape(n).astype(jnp.int32)
    out32 = _sc_lookup_call(n, _L)(sp32, conv16)
    return out32.reshape(shape).astype(conv_tensor.dtype), coordinates

# --- scband reference (transcript-rebuilt; emitter-appended) ---
"""Pipeline reference for scband-atomic-numbers-to-indices-910533067258 (READ-ONLY COPY).

The authoritative reference and input builder live on the scoring server;
editing this copy changes nothing except your own understanding.
"""

import jax, jax.numpy as jnp
import numpy as np
jax.config.update('jax_enable_x64', True)

# Atomic numbers for elements ['H','He','Li','Be','B','C','N','O']
ELEMENTS_Z = [1, 2, 3, 4, 5, 6, 7, 8]

def _build_conv_tensor():
    max_z = max(ELEMENTS_Z)
    conv = -np.ones(max_z + 2, dtype=np.int64)
    for i, z in enumerate(ELEMENTS_Z):
        conv[z] = i
    return jnp.asarray(conv)

def setup_inputs(seed: int = 0) -> dict:
    key = jax.random.key(seed)
    k1, k2 = jax.random.split(key)
    species = jax.random.randint(k1, (16384, 100), 0, 9, dtype=jnp.int64)
    coordinates = jax.random.normal(k2, (16384, 100, 3), dtype=jnp.float32)
    conv_tensor = _build_conv_tensor()
    return {"species": species, "coordinates": coordinates, "conv_tensor": conv_tensor}

def reference(species, coordinates, conv_tensor):
    # SpeciesConverter: map atomic numbers -> contiguous indices via table gather.
    # Padding / unknown entries map to -1 (conv_tensor default).
    species_converted = jnp.take(conv_tensor, species, axis=0)
    # forward returns the properties dict with 'species' replaced; coordinates pass through unchanged
    return (species_converted, coordinates)

if __name__ == "__main__":
    import jax
    _d = setup_inputs()
    print(jax.jit(kernel)(*tuple(_d.values())))

</pallas_src>

<mosaic_0001>
#map = affine_map<(d0, d1) -> (0)>
module attributes {stable_mosaic.version = 14 : i64} {
  func.func @body(%arg0: i32, %arg1: i32, %arg2: memref<1638400xi32, #tpu.memory_space<hbm>>, %arg3: memref<16xi32, #tpu.memory_space<hbm>>, %arg4: memref<1638400xi32, #tpu.memory_space<hbm>>, %arg5: memref<16xi32, #tpu.memory_space<vmem>>, %arg6: memref<6400xi32, #tpu.memory_space<vmem>>, %arg7: memref<6400xi32, #tpu.memory_space<vmem>>, %arg8: memref<6400xi32, #tpu.memory_space<vmem>>, %arg9: memref<6400xi32, #tpu.memory_space<vmem>>, %arg10: memref<!tpu.dma_semaphore, #tpu.memory_space<semaphore_mem>>, %arg11: memref<!tpu.dma_semaphore, #tpu.memory_space<semaphore_mem>>, %arg12: memref<!tpu.dma_semaphore, #tpu.memory_space<semaphore_mem>>, %arg13: memref<!tpu.dma_semaphore, #tpu.memory_space<semaphore_mem>>) attributes {dimension_semantics = [#tpu.dimension_semantics<core_parallel>, #tpu.dimension_semantics<subcore_parallel>], iteration_bounds = array<i64: 2, 16>, scalar_prefetch = 0 : i64, scratch_operands = 9 : i64, tpu.core_type = #tpu.core_type<sc_vector_subcore>, window_params = [{transform_indices = #map}, {transform_indices = #map}, {transform_indices = #map}]} {
    %mul3A = arith.constant 2 : i32
    %mul3A_0 = arith.muli %arg1, %mul3A : i32
    %add3A = arith.addi %mul3A_0, %arg0 : i32
    %mul3A_1 = arith.constant 51200 : i32
    %mul3A_2 = arith.muli %add3A, %mul3A_1 : i32
    %add3A_3 = arith.constant 0 : i32
    %add3A_4 = arith.addi %mul3A_2, %add3A_3 : i32
    %dma_start3A = tpu.memref_slice %arg2[%add3A_4] : memref<1638400xi32, #tpu.memory_space<hbm>> -> memref<6400xi32, #tpu.memory_space<hbm>>
    %dma_start3A_5 = tpu.memref_slice %arg2[%add3A_4] : memref<1638400xi32, #tpu.memory_space<hbm>> -> memref<6400xi32, #tpu.memory_space<hbm>>
    tpu.enqueue_dma source(%dma_start3A_5 : memref<6400xi32, #tpu.memory_space<hbm>>) target(%arg6 : memref<6400xi32, #tpu.memory_space<vmem>>) target_semaphore(%arg10 : memref<!tpu.dma_semaphore, #tpu.memory_space<semaphore_mem>>)
    %add3A_6 = arith.constant 6400 : i32
    %add3A_7 = arith.addi %mul3A_2, %add3A_6 : i32
    %dma_start3A_8 = tpu.memref_slice %arg2[%add3A_7] : memref<1638400xi32, #tpu.memory_space<hbm>> -> memref<6400xi32, #tpu.memory_space<hbm>>
    %dma_start3A_9 = tpu.memref_slice %arg2[%add3A_7] : memref<1638400xi32, #tpu.memory_space<hbm>> -> memref<6400xi32, #tpu.memory_space<hbm>>
    tpu.enqueue_dma source(%dma_start3A_9 : memref<6400xi32, #tpu.memory_space<hbm>>) target(%arg7 : memref<6400xi32, #tpu.memory_space<vmem>>) target_semaphore(%arg11 : memref<!tpu.dma_semaphore, #tpu.memory_space<semaphore_mem>>)
    "tpu.region"() ({
      %run_scoped3A = tpu.sem_alloc : memref<!tpu.dma_semaphore, #tpu.memory_space<semaphore_mem>>
      tpu.enqueue_dma source(%arg3 : memref<16xi32, #tpu.memory_space<hbm>>) target(%arg5 : memref<16xi32, #tpu.memory_space<vmem>>) target_semaphore(%run_scoped3A : memref<!tpu.dma_semaphore, #tpu.memory_space<semaphore_mem>>)
      tpu.wait_dma2 semaphore(%run_scoped3A : memref<!tpu.dma_semaphore, #tpu.memory_space<semaphore_mem>>) src(%arg3 : memref<16xi32, #tpu.memory_space<hbm>>) dst(%arg5 : memref<16xi32, #tpu.memory_space<vmem>>)
      tpu.yield
    }) : () -> ()
    %add3A_10 = arith.constant 0 : i32
    %add3A_11 = arith.addi %mul3A_2, %add3A_10 : i32
    %dma_wait3A = tpu.memref_slice %arg2[%add3A_11] : memref<1638400xi32, #tpu.memory_space<hbm>> -> memref<6400xi32, #tpu.memory_space<hbm>>
    %dma_wait3A_12 = tpu.memref_slice %arg2[%add3A_11] : memref<1638400xi32, #tpu.memory_space<hbm>> -> memref<6400xi32, #tpu.memory_space<hbm>>
    tpu.wait_dma2 semaphore(%arg10 : memref<!tpu.dma_semaphore, #tpu.memory_space<semaphore_mem>>) src(%dma_wait3A_12 : memref<6400xi32, #tpu.memory_space<hbm>>) dst(%arg6 : memref<6400xi32, #tpu.memory_space<vmem>>)
    %parallel_loop3A = arith.constant 0 : i32
    %parallel_loop3A_13 = arith.constant 6400 : i32
    %parallel_loop3A_14 = arith.constant 16 : i32
    scf.for %parallel_loop3A_152 = %parallel_loop3A to %parallel_loop3A_13 step %parallel_loop3A_14  : i32 {
      %parallel_loop3A_153 = arith.index_cast %parallel_loop3A_152 : i32 to index
      %parallel_loop3A_154 = tpu.vector_load %arg6[%parallel_loop3A_153] {strides = array<i32>} : memref<6400xi32, #tpu.memory_space<vmem>>, vector<16xi32>,
      %parallel_loop3A_155 = tpu.vector_load_idx %arg5[%parallel_loop3A_154] : memref<16xi32, #tpu.memory_space<vmem>>[vector<16xi32>], vector<16xi32>,
      %parallel_loop3A_156 = arith.index_cast %parallel_loop3A_152 : i32 to index
      %parallel_loop3A_157 = tpu.vector_load %arg8[%parallel_loop3A_156] {strides = array<i32>} : memref<6400xi32, #tpu.memory_space<vmem>>, vector<16xi32>,
      tpu.vector_store %arg8[%parallel_loop3A_156], %parallel_loop3A_155 {strides = array<i32>} : memref<6400xi32, #tpu.memory_space<vmem>>, vector<16xi32>,
    } {sc.loop_unroll_factor = 8 : i64, sc.parallel_access}
    %add3A_15 = arith.constant 0 : i32
    %add3A_16 = arith.addi %mul3A_2, %add3A_15 : i32
    %dma_start3A_17 = tpu.memref_slice %arg4[%add3A_16] : memref<1638400xi32, #tpu.memory_space<hbm>> -> memref<6400xi32, #tpu.memory_space<hbm>>
    %dma_start3A_18 = tpu.memref_slice %arg4[%add3A_16] : memref<1638400xi32, #tpu.memory_space<hbm>> -> memref<6400xi32, #tpu.memory_space<hbm>>
    tpu.enqueue_dma source(%arg8 : memref<6400xi32, #tpu.memory_space<vmem>>) target(%dma_start3A_18 : memref<6400xi32, #tpu.memory_space<hbm>>) target_semaphore(%arg12 : memref<!tpu.dma_semaphore, #tpu.memory_space<semaphore_mem>>)
    %add3A_19 = arith.constant 12800 : i32
    %add3A_20 = arith.addi %mul3A_2, %add3A_19 : i32
    %dma_start3A_21 = tpu.memref_slice %arg2[%add3A_20] : memref<1638400xi32, #tpu.memory_space<hbm>> -> memref<6400xi32, #tpu.memory_space<hbm>>
    %dma_start3A_22 = tpu.memref_slice %arg2[%add3A_20] : memref<1638400xi32, #tpu.memory_space<hbm>> -> memref<6400xi32, #tpu.memory_space<hbm>>
    tpu.enqueue_dma source(%dma_start3A_22 : memref<6400xi32, #tpu.memory_space<hbm>>) target(%arg6 : memref<6400xi32, #tpu.memory_space<vmem>>) target_semaphore(%arg10 : memref<!tpu.dma_semaphore, #tpu.memory_space<semaphore_mem>>)
    %add3A_23 = arith.constant 6400 : i32
    %add3A_24 = arith.addi %mul3A_2, %add3A_23 : i32
    %dma_wait3A_25 = tpu.memref_slice %arg2[%add3A_24] : memref<1638400xi32, #tpu.memory_space<hbm>> -> memref<6400xi32, #tpu.memory_space<hbm>>
    %dma_wait3A_26 = tpu.memref_slice %arg2[%add3A_24] : memref<1638400xi32, #tpu.memory_space<hbm>> -> memref<6400xi32, #tpu.memory_space<hbm>>
    tpu.wait_dma2 semaphore(%arg11 : memref<!tpu.dma_semaphore, #tpu.memory_space<semaphore_mem>>) src(%dma_wait3A_26 : memref<6400xi32, #tpu.memory_space<hbm>>) dst(%arg7 : memref<6400xi32, #tpu.memory_space<vmem>>)
    %parallel_loop3A_27 = arith.constant 0 : i32
    %parallel_loop3A_28 = arith.constant 6400 : i32
    %parallel_loop3A_29 = arith.constant 16 : i32
    scf.for %parallel_loop3A_152 = %parallel_loop3A_27 to %parallel_loop3A_28 step %parallel_loop3A_29  : i32 {
      %parallel_loop3A_153 = arith.index_cast %parallel_loop3A_152 : i32 to index
      %parallel_loop3A_154 = tpu.vector_load %arg7[%parallel_loop3A_153] {strides = array<i32>} : memref<6400xi32, #tpu.memory_space<vmem>>, vector<16xi32>,
      %parallel_loop3A_155 = tpu.vector_load_idx %arg5[%parallel_loop3A_154] : memref<16xi32, #tpu.memory_space<vmem>>[vector<16xi32>], vector<16xi32>,
      %parallel_loop3A_156 = arith.index_cast %parallel_loop3A_152 : i32 to index
      %parallel_loop3A_157 = tpu.vector_load %arg9[%parallel_loop3A_156] {strides = array<i32>} : memref<6400xi32, #tpu.memory_space<vmem>>, vector<16xi32>,
      tpu.vector_store %arg9[%parallel_loop3A_156], %parallel_loop3A_155 {strides = array<i32>} : memref<6400xi32, #tpu.memory_space<vmem>>, vector<16xi32>,
    } {sc.loop_unroll_factor = 8 : i64, sc.parallel_access}
    %add3A_30 = arith.constant 6400 : i32
    %add3A_31 = arith.addi %mul3A_2, %add3A_30 : i32
    %dma_start3A_32 = tpu.memref_slice %arg4[%add3A_31] : memref<1638400xi32, #tpu.memory_space<hbm>> -> memref<6400xi32, #tpu.memory_space<hbm>>
    %dma_start3A_33 = tpu.memref_slice %arg4[%add3A_31] : memref<1638400xi32, #tpu.memory_space<hbm>> -> memref<6400xi32, #tpu.memory_space<hbm>>
    tpu.enqueue_dma source(%arg9 : memref<6400xi32, #tpu.memory_space<vmem>>) target(%dma_start3A_33 : memref<6400xi32, #tpu.memory_space<hbm>>) target_semaphore(%arg13 : memref<!tpu.dma_semaphore, #tpu.memory_space<semaphore_mem>>)
    %add3A_34 = arith.constant 19200 : i32
    %add3A_35 = arith.addi %mul3A_2, %add3A_34 : i32
    %dma_start3A_36 = tpu.memref_slice %arg2[%add3A_35] : memref<1638400xi32, #tpu.memory_space<hbm>> -> memref<6400xi32, #tpu.memory_space<hbm>>
    %dma_start3A_37 = tpu.memref_slice %arg2[%add3A_35] : memref<1638400xi32, #tpu.memory_space<hbm>> -> memref<6400xi32, #tpu.memory_space<hbm>>
    tpu.enqueue_dma source(%dma_start3A_37 : memref<6400xi32, #tpu.memory_space<hbm>>) target(%arg7 : memref<6400xi32, #tpu.memory_space<vmem>>) target_semaphore(%arg11 : memref<!tpu.dma_semaphore, #tpu.memory_space<semaphore_mem>>)
    %add3A_38 = arith.constant 12800 : i32
    %add3A_39 = arith.addi %mul3A_2, %add3A_38 : i32
    %dma_wait3A_40 = tpu.memref_slice %arg2[%add3A_39] : memref<1638400xi32, #tpu.memory_space<hbm>> -> memref<6400xi32, #tpu.memory_space<hbm>>
    %dma_wait3A_41 = tpu.memref_slice %arg2[%add3A_39] : memref<1638400xi32, #tpu.memory_space<hbm>> -> memref<6400xi32, #tpu.memory_space<hbm>>
    tpu.wait_dma2 semaphore(%arg10 : memref<!tpu.dma_semaphore, #tpu.memory_space<semaphore_mem>>) src(%dma_wait3A_41 : memref<6400xi32, #tpu.memory_space<hbm>>) dst(%arg6 : memref<6400xi32, #tpu.memory_space<vmem>>)
    %add3A_42 = arith.constant 0 : i32
    %add3A_43 = arith.addi %mul3A_2, %add3A_42 : i32
    %dma_wait3A_44 = tpu.memref_slice %arg4[%add3A_43] : memref<1638400xi32, #tpu.memory_space<hbm>> -> memref<6400xi32, #tpu.memory_space<hbm>>
    %dma_wait3A_45 = tpu.memref_slice %arg4[%add3A_43] : memref<1638400xi32, #tpu.memory_space<hbm>> -> memref<6400xi32, #tpu.memory_space<hbm>>
    tpu.wait_dma2 semaphore(%arg12 : memref<!tpu.dma_semaphore, #tpu.memory_space<semaphore_mem>>) src(%arg8 : memref<6400xi32, #tpu.memory_space<vmem>>) dst(%dma_wait3A_45 : memref<6400xi32, #tpu.memory_space<hbm>>)
    %parallel_loop3A_46 = arith.constant 0 : i32
    %parallel_loop3A_47 = arith.constant 6400 : i32
    %parallel_loop3A_48 = arith.constant 16 : i32
    scf.for %parallel_loop3A_152 = %parallel_loop3A_46 to %parallel_loop3A_47 step %parallel_loop3A_48  : i32 {
      %parallel_loop3A_153 = arith.index_cast %parallel_loop3A_152 : i32 to index
      %parallel_loop3A_154 = tpu.vector_load %arg6[%parallel_loop3A_153] {strides = array<i32>} : memref<6400xi32, #tpu.memory_space<vmem>>, vector<16xi32>,
      %parallel_loop3A_155 = tpu.vector_load_idx %arg5[%parallel_loop3A_154] : memref<16xi32, #tpu.memory_space<vmem>>[vector<16xi32>], vector<16xi32>,
      %parallel_loop3A_156 = arith.index_cast %parallel_loop3A_152 : i32 to index
      %parallel_loop3A_157 = tpu.vector_load %arg8[%parallel_loop3A_156] {strides = array<i32>} : memref<6400xi32, #tpu.memory_space<vmem>>, vector<16xi32>,
      tpu.vector_store %arg8[%parallel_loop3A_156], %parallel_loop3A_155 {strides = array<i32>} : memref<6400xi32, #tpu.memory_space<vmem>>, vector<16xi32>,
    } {sc.loop_unroll_factor = 8 : i64, sc.parallel_access}
    %add3A_49 = arith.constant 12800 : i32
    %add3A_50 = arith.addi %mul3A_2, %add3A_49 : i32
    %dma_start3A_51 = tpu.memref_slice %arg4[%add3A_50] : memref<1638400xi32, #tpu.memory_space<hbm>> -> memref<6400xi32, #tpu.memory_space<hbm>>
    %dma_start3A_52 = tpu.memref_slice %arg4[%add3A_50] : memref<1638400xi32, #tpu.memory_space<hbm>> -> memref<6400xi32, #tpu.memory_space<hbm>>
    tpu.enqueue_dma source(%arg8 : memref<6400xi32, #tpu.memory_space<vmem>>) target(%dma_start3A_52 : memref<6400xi32, #tpu.memory_space<hbm>>) target_semaphore(%arg12 : memref<!tpu.dma_semaphore, #tpu.memory_space<semaphore_mem>>)
    %add3A_53 = arith.constant 25600 : i32
    %add3A_54 = arith.addi %mul3A_2, %add3A_53 : i32
    %dma_start3A_55 = tpu.memref_slice %arg2[%add3A_54] : memref<1638400xi32, #tpu.memory_space<hbm>> -> memref<6400xi32, #tpu.memory_space<hbm>>
    %dma_start3A_56 = tpu.memref_slice %arg2[%add3A_54] : memref<1638400xi32, #tpu.memory_space<hbm>> -> memref<6400xi32, #tpu.memory_space<hbm>>
    tpu.enqueue_dma source(%dma_start3A_56 : memref<6400xi32, #tpu.memory_space<hbm>>) target(%arg6 : memref<6400xi32, #tpu.memory_space<vmem>>) target_semaphore(%arg10 : memref<!tpu.dma_semaphore, #tpu.memory_space<semaphore_mem>>)
    %add3A_57 = arith.constant 19200 : i32
    %add3A_58 = arith.addi %mul3A_2, %add3A_57 : i32
    %dma_wait3A_59 = tpu.memref_slice %arg2[%add3A_58] : memref<1638400xi32, #tpu.memory_space<hbm>> -> memref<6400xi32, #tpu.memory_space<hbm>>
    %dma_wait3A_60 = tpu.memref_slice %arg2[%add3A_58] : memref<1638400xi32, #tpu.memory_space<hbm>> -> memref<6400xi32, #tpu.memory_space<hbm>>
    tpu.wait_dma2 semaphore(%arg11 : memref<!tpu.dma_semaphore, #tpu.memory_space<semaphore_mem>>) src(%dma_wait3A_60 : memref<6400xi32, #tpu.memory_space<hbm>>) dst(%arg7 : memref<6400xi32, #tpu.memory_space<vmem>>)
    %add3A_61 = arith.constant 6400 : i32
    %add3A_62 = arith.addi %mul3A_2, %add3A_61 : i32
    %dma_wait3A_63 = tpu.memref_slice %arg4[%add3A_62] : memref<1638400xi32, #tpu.memory_space<hbm>> -> memref<6400xi32, #tpu.memory_space<hbm>>
    %dma_wait3A_64 = tpu.memref_slice %arg4[%add3A_62] : memref<1638400xi32, #tpu.memory_space<hbm>> -> memref<6400xi32, #tpu.memory_space<hbm>>
    tpu.wait_dma2 semaphore(%arg13 : memref<!tpu.dma_semaphore, #tpu.memory_space<semaphore_mem>>) src(%arg9 : memref<6400xi32, #tpu.memory_space<vmem>>) dst(%dma_wait3A_64 : memref<6400xi32, #tpu.memory_space<hbm>>)
    %parallel_loop3A_65 = arith.constant 0 : i32
    %parallel_loop3A_66 = arith.constant 6400 : i32
    %parallel_loop3A_67 = arith.constant 16 : i32
    scf.for %parallel_loop3A_152 = %parallel_loop3A_65 to %parallel_loop3A_66 step %parallel_loop3A_67  : i32 {
      %parallel_loop3A_153 = arith.index_cast %parallel_loop3A_152 : i32 to index
      %parallel_loop3A_154 = tpu.vector_load %arg7[%parallel_loop3A_153] {strides = array<i32>} : memref<6400xi32, #tpu.memory_space<vmem>>, vector<16xi32>,
      %parallel_loop3A_155 = tpu.vector_load_idx %arg5[%parallel_loop3A_154] : memref<16xi32, #tpu.memory_space<vmem>>[vector<16xi32>], vector<16xi32>,
      %parallel_loop3A_156 = arith.index_cast %parallel_loop3A_152 : i32 to index
      %parallel_loop3A_157 = tpu.vector_load %arg9[%parallel_loop3A_156] {strides = array<i32>} : memref<6400xi32, #tpu.memory_space<vmem>>, vector<16xi32>,
      tpu.vector_store %arg9[%parallel_loop3A_156], %parallel_loop3A_155 {strides = array<i32>} : memref<6400xi32, #tpu.memory_space<vmem>>, vector<16xi32>,
    } {sc.loop_unroll_factor = 8 : i64, sc.parallel_access}
    %add3A_68 = arith.constant 19200 : i32
    %add3A_69 = arith.addi %mul3A_2, %add3A_68 : i32
    %dma_start3A_70 = tpu.memref_slice %arg4[%add3A_69] : memref<1638400xi32, #tpu.memory_space<hbm>> -> memref<6400xi32, #tpu.memory_space<hbm>>
    %dma_start3A_71 = tpu.memref_slice %arg4[%add3A_69] : memref<1638400xi32, #tpu.memory_space<hbm>> -> memref<6400xi32, #tpu.memory_space<hbm>>
    tpu.enqueue_dma source(%arg9 : memref<6400xi32, #tpu.memory_space<vmem>>) target(%dma_start3A_71 : memref<6400xi32, #tpu.memory_space<hbm>>) target_semaphore(%arg13 : memref<!tpu.dma_semaphore, #tpu.memory_space<semaphore_mem>>)
    %add3A_72 = arith.constant 32000 : i32
    %add3A_73 = arith.addi %mul3A_2, %add3A_72 : i32
    %dma_start3A_74 = tpu.memref_slice %arg2[%add3A_73] : memref<1638400xi32, #tpu.memory_space<hbm>> -> memref<6400xi32, #tpu.memory_space<hbm>>
    %dma_start3A_75 = tpu.memref_slice %arg2[%add3A_73] : memref<1638400xi32, #tpu.memory_space<hbm>> -> memref<6400xi32, #tpu.memory_space<hbm>>
    tpu.enqueue_dma source(%dma_start3A_75 : memref<6400xi32, #tpu.memory_space<hbm>>) target(%arg7 : memref<6400xi32, #tpu.memory_space<vmem>>) target_semaphore(%arg11 : memref<!tpu.dma_semaphore, #tpu.memory_space<semaphore_mem>>)
    %add3A_76 = arith.constant 25600 : i32
    %add3A_77 = arith.addi %mul3A_2, %add3A_76 : i32
    %dma_wait3A_78 = tpu.memref_slice %arg2[%add3A_77] : memref<1638400xi32, #tpu.memory_space<hbm>> -> memref<6400xi32, #tpu.memory_space<hbm>>
    %dma_wait3A_79 = tpu.memref_slice %arg2[%add3A_77] : memref<1638400xi32, #tpu.memory_space<hbm>> -> memref<6400xi32, #tpu.memory_space<hbm>>
    tpu.wait_dma2 semaphore(%arg10 : memref<!tpu.dma_semaphore, #tpu.memory_space<semaphore_mem>>) src(%dma_wait3A_79 : memref<6400xi32, #tpu.memory_space<hbm>>) dst(%arg6 : memref<6400xi32, #tpu.memory_space<vmem>>)
    %add3A_80 = arith.constant 12800 : i32
    %add3A_81 = arith.addi %mul3A_2, %add3A_80 : i32
    %dma_wait3A_82 = tpu.memref_slice %arg4[%add3A_81] : memref<1638400xi32, #tpu.memory_space<hbm>> -> memref<6400xi32, #tpu.memory_space<hbm>>
    %dma_wait3A_83 = tpu.memref_slice %arg4[%add3A_81] : memref<1638400xi32, #tpu.memory_space<hbm>> -> memref<6400xi32, #tpu.memory_space<hbm>>
    tpu.wait_dma2 semaphore(%arg12 : memref<!tpu.dma_semaphore, #tpu.memory_space<semaphore_mem>>) src(%arg8 : memref<6400xi32, #tpu.memory_space<vmem>>) dst(%dma_wait3A_83 : memref<6400xi32, #tpu.memory_space<hbm>>)
    %parallel_loop3A_84 = arith.constant 0 : i32
    %parallel_loop3A_85 = arith.constant 6400 : i32
    %parallel_loop3A_86 = arith.constant 16 : i32
    scf.for %parallel_loop3A_152 = %parallel_loop3A_84 to %parallel_loop3A_85 step %parallel_loop3A_86  : i32 {
      %parallel_loop3A_153 = arith.index_cast %parallel_loop3A_152 : i32 to index
      %parallel_loop3A_154 = tpu.vector_load %arg6[%parallel_loop3A_153] {strides = array<i32>} : memref<6400xi32, #tpu.memory_space<vmem>>, vector<16xi32>,
      %parallel_loop3A_155 = tpu.vector_load_idx %arg5[%parallel_loop3A_154] : memref<16xi32, #tpu.memory_space<vmem>>[vector<16xi32>], vector<16xi32>,
      %parallel_loop3A_156 = arith.index_cast %parallel_loop3A_152 : i32 to index
      %parallel_loop3A_157 = tpu.vector_load %arg8[%parallel_loop3A_156] {strides = array<i32>} : memref<6400xi32, #tpu.memory_space<vmem>>, vector<16xi32>,
      tpu.vector_store %arg8[%parallel_loop3A_156], %parallel_loop3A_155 {strides = array<i32>} : memref<6400xi32, #tpu.memory_space<vmem>>, vector<16xi32>,
    } {sc.loop_unroll_factor = 8 : i64, sc.parallel_access}
    %add3A_87 = arith.constant 25600 : i32
    %add3A_88 = arith.addi %mul3A_2, %add3A_87 : i32
    %dma_start3A_89 = tpu.memref_slice %arg4[%add3A_88] : memref<1638400xi32, #tpu.memory_space<hbm>> -> memref<6400xi32, #tpu.memory_space<hbm>>
    %dma_start3A_90 = tpu.memref_slice %arg4[%add3A_88] : memref<1638400xi32, #tpu.memory_space<hbm>> -> memref<6400xi32, #tpu.memory_space<hbm>>
    tpu.enqueue_dma source(%arg8 : memref<6400xi32, #tpu.memory_space<vmem>>) target(%dma_start3A_90 : memref<6400xi32, #tpu.memory_space<hbm>>) target_semaphore(%arg12 : memref<!tpu.dma_semaphore, #tpu.memory_space<semaphore_mem>>)
    %add3A_91 = arith.constant 38400 : i32
    %add3A_92 = arith.addi %mul3A_2, %add3A_91 : i32
    %dma_start3A_93 = tpu.memref_slice %arg2[%add3A_92] : memref<1638400xi32, #tpu.memory_space<hbm>> -> memref<6400xi32, #tpu.memory_space<hbm>>
    %dma_start3A_94 = tpu.memref_slice %arg2[%add3A_92] : memref<1638400xi32, #tpu.memory_space<hbm>> -> memref<6400xi32, #tpu.memory_space<hbm>>
    tpu.enqueue_dma source(%dma_start3A_94 : memref<6400xi32, #tpu.memory_space<hbm>>) target(%arg6 : memref<6400xi32, #tpu.memory_space<vmem>>) target_semaphore(%arg10 : memref<!tpu.dma_semaphore, #tpu.memory_space<semaphore_mem>>)
    %add3A_95 = arith.constant 32000 : i32
    %add3A_96 = arith.addi %mul3A_2, %add3A_95 : i32
    %dma_wait3A_97 = tpu.memref_slice %arg2[%add3A_96] : memref<1638400xi32, #tpu.memory_space<hbm>> -> memref<6400xi32, #tpu.memory_space<hbm>>
    %dma_wait3A_98 = tpu.memref_slice %arg2[%add3A_96] : memref<1638400xi32, #tpu.memory_space<hbm>> -> memref<6400xi32, #tpu.memory_space<hbm>>
    tpu.wait_dma2 semaphore(%arg11 : memref<!tpu.dma_semaphore, #tpu.memory_space<semaphore_mem>>) src(%dma_wait3A_98 : memref<6400xi32, #tpu.memory_space<hbm>>) dst(%arg7 : memref<6400xi32, #tpu.memory_space<vmem>>)
    %add3A_99 = arith.constant 19200 : i32
    %add3A_100 = arith.addi %mul3A_2, %add3A_99 : i32
    %dma_wait3A_101 = tpu.memref_slice %arg4[%add3A_100] : memref<1638400xi32, #tpu.memory_space<hbm>> -> memref<6400xi32, #tpu.memory_space<hbm>>
    %dma_wait3A_102 = tpu.memref_slice %arg4[%add3A_100] : memref<1638400xi32, #tpu.memory_space<hbm>> -> memref<6400xi32, #tpu.memory_space<hbm>>
    tpu.wait_dma2 semaphore(%arg13 : memref<!tpu.dma_semaphore, #tpu.memory_space<semaphore_mem>>) src(%arg9 : memref<6400xi32, #tpu.memory_space<vmem>>) dst(%dma_wait3A_102 : memref<6400xi32, #tpu.memory_space<hbm>>)
    %parallel_loop3A_103 = arith.constant 0 : i32
    %parallel_loop3A_104 = arith.constant 6400 : i32
    %parallel_loop3A_105 = arith.constant 16 : i32
    scf.for %parallel_loop3A_152 = %parallel_loop3A_103 to %parallel_loop3A_104 step %parallel_loop3A_105  : i32 {
      %parallel_loop3A_153 = arith.index_cast %parallel_loop3A_152 : i32 to index
      %parallel_loop3A_154 = tpu.vector_load %arg7[%parallel_loop3A_153] {strides = array<i32>} : memref<6400xi32, #tpu.memory_space<vmem>>, vector<16xi32>,
      %parallel_loop3A_155 = tpu.vector_load_idx %arg5[%parallel_loop3A_154] : memref<16xi32, #tpu.memory_space<vmem>>[vector<16xi32>], vector<16xi32>,
      %parallel_loop3A_156 = arith.index_cast %parallel_loop3A_152 : i32 to index
      %parallel_loop3A_157 = tpu.vector_load %arg9[%parallel_loop3A_156] {strides = array<i32>} : memref<6400xi32, #tpu.memory_space<vmem>>, vector<16xi32>,
      tpu.vector_store %arg9[%parallel_loop3A_156], %parallel_loop3A_155 {strides = array<i32>} : memref<6400xi32, #tpu.memory_space<vmem>>, vector<16xi32>,
    } {sc.loop_unroll_factor = 8 : i64, sc.parallel_access}
    %add3A_106 = arith.constant 32000 : i32
    %add3A_107 = arith.addi %mul3A_2, %add3A_106 : i32
    %dma_start3A_108 = tpu.memref_slice %arg4[%add3A_107] : memref<1638400xi32, #tpu.memory_space<hbm>> -> memref<6400xi32, #tpu.memory_space<hbm>>
    %dma_start3A_109 = tpu.memref_slice %arg4[%add3A_107] : memref<1638400xi32, #tpu.memory_space<hbm>> -> memref<6400xi32, #tpu.memory_space<hbm>>
    tpu.enqueue_dma source(%arg9 : memref<6400xi32, #tpu.memory_space<vmem>>) target(%dma_start3A_109 : memref<6400xi32, #tpu.memory_space<hbm>>) target_semaphore(%arg13 : memref<!tpu.dma_semaphore, #tpu.memory_space<semaphore_mem>>)
    %add3A_110 = arith.constant 44800 : i32
    %add3A_111 = arith.addi %mul3A_2, %add3A_110 : i32
    %dma_start3A_112 = tpu.memref_slice %arg2[%add3A_111] : memref<1638400xi32, #tpu.memory_space<hbm>> -> memref<6400xi32, #tpu.memory_space<hbm>>
    %dma_start3A_113 = tpu.memref_slice %arg2[%add3A_111] : memref<1638400xi32, #tpu.memory_space<hbm>> -> memref<6400xi32, #tpu.memory_space<hbm>>
    tpu.enqueue_dma source(%dma_start3A_113 : memref<6400xi32, #tpu.memory_space<hbm>>) target(%arg7 : memref<6400xi32, #tpu.memory_space<vmem>>) target_semaphore(%arg11 : memref<!tpu.dma_semaphore, #tpu.memory_space<semaphore_mem>>)
    %add3A_114 = arith.constant 38400 : i32
    %add3A_115 = arith.addi %mul3A_2, %add3A_114 : i32
    %dma_wait3A_116 = tpu.memref_slice %arg2[%add3A_115] : memref<1638400xi32, #tpu.memory_space<hbm>> -> memref<6400xi32, #tpu.memory_space<hbm>>
    %dma_wait3A_117 = tpu.memref_slice %arg2[%add3A_115] : memref<1638400xi32, #tpu.memory_space<hbm>> -> memref<6400xi32, #tpu.memory_space<hbm>>
    tpu.wait_dma2 semaphore(%arg10 : memref<!tpu.dma_semaphore, #tpu.memory_space<semaphore_mem>>) src(%dma_wait3A_117 : memref<6400xi32, #tpu.memory_space<hbm>>) dst(%arg6 : memref<6400xi32, #tpu.memory_space<vmem>>)
    %add3A_118 = arith.constant 25600 : i32
    %add3A_119 = arith.addi %mul3A_2, %add3A_118 : i32
    %dma_wait3A_120 = tpu.memref_slice %arg4[%add3A_119] : memref<1638400xi32, #tpu.memory_space<hbm>> -> memref<6400xi32, #tpu.memory_space<hbm>>
    %dma_wait3A_121 = tpu.memref_slice %arg4[%add3A_119] : memref<1638400xi32, #tpu.memory_space<hbm>> -> memref<6400xi32, #tpu.memory_space<hbm>>
    tpu.wait_dma2 semaphore(%arg12 : memref<!tpu.dma_semaphore, #tpu.memory_space<semaphore_mem>>) src(%arg8 : memref<6400xi32, #tpu.memory_space<vmem>>) dst(%dma_wait3A_121 : memref<6400xi32, #tpu.memory_space<hbm>>)
    %parallel_loop3A_122 = arith.constant 0 : i32
    %parallel_loop3A_123 = arith.constant 6400 : i32
    %parallel_loop3A_124 = arith.constant 16 : i32
    scf.for %parallel_loop3A_152 = %parallel_loop3A_122 to %parallel_loop3A_123 step %parallel_loop3A_124  : i32 {
      %parallel_loop3A_153 = arith.index_cast %parallel_loop3A_152 : i32 to index
      %parallel_loop3A_154 = tpu.vector_load %arg6[%parallel_loop3A_153] {strides = array<i32>} : memref<6400xi32, #tpu.memory_space<vmem>>, vector<16xi32>,
      %parallel_loop3A_155 = tpu.vector_load_idx %arg5[%parallel_loop3A_154] : memref<16xi32, #tpu.memory_space<vmem>>[vector<16xi32>], vector<16xi32>,
      %parallel_loop3A_156 = arith.index_cast %parallel_loop3A_152 : i32 to index
      %parallel_loop3A_157 = tpu.vector_load %arg8[%parallel_loop3A_156] {strides = array<i32>} : memref<6400xi32, #tpu.memory_space<vmem>>, vector<16xi32>,
      tpu.vector_store %arg8[%parallel_loop3A_156], %parallel_loop3A_155 {strides = array<i32>} : memref<6400xi32, #tpu.memory_space<vmem>>, vector<16xi32>,
    } {sc.loop_unroll_factor = 8 : i64, sc.parallel_access}
    %add3A_125 = arith.constant 38400 : i32
    %add3A_126 = arith.addi %mul3A_2, %add3A_125 : i32
    %dma_start3A_127 = tpu.memref_slice %arg4[%add3A_126] : memref<1638400xi32, #tpu.memory_space<hbm>> -> memref<6400xi32, #tpu.memory_space<hbm>>
    %dma_start3A_128 = tpu.memref_slice %arg4[%add3A_126] : memref<1638400xi32, #tpu.memory_space<hbm>> -> memref<6400xi32, #tpu.memory_space<hbm>>
    tpu.enqueue_dma source(%arg8 : memref<6400xi32, #tpu.memory_space<vmem>>) target(%dma_start3A_128 : memref<6400xi32, #tpu.memory_space<hbm>>) target_semaphore(%arg12 : memref<!tpu.dma_semaphore, #tpu.memory_space<semaphore_mem>>)
    %add3A_129 = arith.constant 44800 : i32
    %add3A_130 = arith.addi %mul3A_2, %add3A_129 : i32
    %dma_wait3A_131 = tpu.memref_slice %arg2[%add3A_130] : memref<1638400xi32, #tpu.memory_space<hbm>> -> memref<6400xi32, #tpu.memory_space<hbm>>
    %dma_wait3A_132 = tpu.memref_slice %arg2[%add3A_130] : memref<1638400xi32, #tpu.memory_space<hbm>> -> memref<6400xi32, #tpu.memory_space<hbm>>
    tpu.wait_dma2 semaphore(%arg11 : memref<!tpu.dma_semaphore, #tpu.memory_space<semaphore_mem>>) src(%dma_wait3A_132 : memref<6400xi32, #tpu.memory_space<hbm>>) dst(%arg7 : memref<6400xi32, #tpu.memory_space<vmem>>)
    %add3A_133 = arith.constant 32000 : i32
    %add3A_134 = arith.addi %mul3A_2, %add3A_133 : i32
    %dma_wait3A_135 = tpu.memref_slice %arg4[%add3A_134] : memref<1638400xi32, #tpu.memory_space<hbm>> -> memref<6400xi32, #tpu.memory_space<hbm>>
    %dma_wait3A_136 = tpu.memref_slice %arg4[%add3A_134] : memref<1638400xi32, #tpu.memory_space<hbm>> -> memref<6400xi32, #tpu.memory_space<hbm>>
    tpu.wait_dma2 semaphore(%arg13 : memref<!tpu.dma_semaphore, #tpu.memory_space<semaphore_mem>>) src(%arg9 : memref<6400xi32, #tpu.memory_space<vmem>>) dst(%dma_wait3A_136 : memref<6400xi32, #tpu.memory_space<hbm>>)
    %parallel_loop3A_137 = arith.constant 0 : i32
    %parallel_loop3A_138 = arith.constant 6400 : i32
    %parallel_loop3A_139 = arith.constant 16 : i32
    scf.for %parallel_loop3A_152 = %parallel_loop3A_137 to %parallel_loop3A_138 step %parallel_loop3A_139  : i32 {
      %parallel_loop3A_153 = arith.index_cast %parallel_loop3A_152 : i32 to index
      %parallel_loop3A_154 = tpu.vector_load %arg7[%parallel_loop3A_153] {strides = array<i32>} : memref<6400xi32, #tpu.memory_space<vmem>>, vector<16xi32>,
      %parallel_loop3A_155 = tpu.vector_load_idx %arg5[%parallel_loop3A_154] : memref<16xi32, #tpu.memory_space<vmem>>[vector<16xi32>], vector<16xi32>,
      %parallel_loop3A_156 = arith.index_cast %parallel_loop3A_152 : i32 to index
      %parallel_loop3A_157 = tpu.vector_load %arg9[%parallel_loop3A_156] {strides = array<i32>} : memref<6400xi32, #tpu.memory_space<vmem>>, vector<16xi32>,
      tpu.vector_store %arg9[%parallel_loop3A_156], %parallel_loop3A_155 {strides = array<i32>} : memref<6400xi32, #tpu.memory_space<vmem>>, vector<16xi32>,
    } {sc.loop_unroll_factor = 8 : i64, sc.parallel_access}
    %add3A_140 = arith.constant 44800 : i32
    %add3A_141 = arith.addi %mul3A_2, %add3A_140 : i32
    %dma_start3A_142 = tpu.memref_slice %arg4[%add3A_141] : memref<1638400xi32, #tpu.memory_space<hbm>> -> memref<6400xi32, #tpu.memory_space<hbm>>
    %dma_start3A_143 = tpu.memref_slice %arg4[%add3A_141] : memref<1638400xi32, #tpu.memory_space<hbm>> -> memref<6400xi32, #tpu.memory_space<hbm>>
    tpu.enqueue_dma source(%arg9 : memref<6400xi32, #tpu.memory_space<vmem>>) target(%dma_start3A_143 : memref<6400xi32, #tpu.memory_space<hbm>>) target_semaphore(%arg13 : memref<!tpu.dma_semaphore, #tpu.memory_space<semaphore_mem>>)
    %add3A_144 = arith.constant 38400 : i32
    %add3A_145 = arith.addi %mul3A_2, %add3A_144 : i32
    %dma_wait3A_146 = tpu.memref_slice %arg4[%add3A_145] : memref<1638400xi32, #tpu.memory_space<hbm>> -> memref<6400xi32, #tpu.memory_space<hbm>>
    %dma_wait3A_147 = tpu.memref_slice %arg4[%add3A_145] : memref<1638400xi32, #tpu.memory_space<hbm>> -> memref<6400xi32, #tpu.memory_space<hbm>>
    tpu.wait_dma2 semaphore(%arg12 : memref<!tpu.dma_semaphore, #tpu.memory_space<semaphore_mem>>) src(%arg8 : memref<6400xi32, #tpu.memory_space<vmem>>) dst(%dma_wait3A_147 : memref<6400xi32, #tpu.memory_space<hbm>>)
    %add3A_148 = arith.constant 44800 : i32
    %add3A_149 = arith.addi %mul3A_2, %add3A_148 : i32
    %dma_wait3A_150 = tpu.memref_slice %arg4[%add3A_149] : memref<1638400xi32, #tpu.memory_space<hbm>> -> memref<6400xi32, #tpu.memory_space<hbm>>
    %dma_wait3A_151 = tpu.memref_slice %arg4[%add3A_149] : memref<1638400xi32, #tpu.memory_space<hbm>> -> memref<6400xi32, #tpu.memory_space<hbm>>
    tpu.wait_dma2 semaphore(%arg13 : memref<!tpu.dma_semaphore, #tpu.memory_space<semaphore_mem>>) src(%arg9 : memref<6400xi32, #tpu.memory_space<vmem>>) dst(%dma_wait3A_151 : memref<6400xi32, #tpu.memory_space<hbm>>)
    return
  }
}

</mosaic_0001>

<sc_bundles>
// kernel: kernel.3.cloned.1.call-start
scs
__scs_entry_jumppad:
0x0: {  	(pc) =	sbr.rel $0x88, $3  }
0x1: {  	(tag) =	ssettag $0x0;
	lr =	simm.s32 $0x1  }
0x2: {  	[smem:$0x3F9E] =	sst lr;
	_ =	strace $0xD0000000  }
0x3: {  	_ = 	snop  }
0x4: {  	_ = 	snop  }
0x5: {  	_ = 	snop  }
0x6: {  	_ = 	snop  }
0x7: {  	_ = 	snop  }
__scs_overlays_trampoline_lowered:
0x8: {  	[smem:$0x3FAD] =	sst s0  }
0x9: {  	[smem:$0x3FAE] =	sst s1  }
0xa: {  	[smem:$0x3FAF] =	sst s2  }
0xb: {  	[smem:$0x3FB0] =	sst s3  }
0xc: {  	[smem:$0x3FB1] =	sst s4  }
0xd: {  	[smem:$0x3FB2] =	sst s5  }
0xe: {  	[smem:$0x3FB3] =	sst s6  }
0xf: {  	[smem:$0x3FB4] =	sst s7  }
0x10: {  	[smem:$0x3FB5] =	sst s8  }
0x11: {  	[smem:$0x3FB6] =	sst s9;
	s0 =	simm.s32 @!p0 $0x0  }
0x12: {  	s1 =	sld [smem:$0x3F9C];
	s0 =	simm.s32 @p0 $0x1  }
0x13: {  	[smem:$0x3FB7] =	sst s0;
	s0 =	simm.s32 @!p1 $0x0  }
0x14: {  	s2 =	sld [smem:$0x3F9B];
	s0 =	simm.s32 @p1 $0x1  }
0x15: {  	[smem:$0x3FB8] =	sst s0;
	s0 =	simm.s32 @!p2 $0x0  }
0x16: {  	s3 =	sld [smem:$0x3FDB];
	s0 =	simm.s32 @p2 $0x1  }
0x17: {  	s4 =	simm.s32 $0x1BF5;
	[smem:$0x3FBA] =	sst s0  }
0x18: {  	s0 =	sld [smem:$0x3F9D];
	_ =	swait.ge [sflag:s4], $0x0  }
0x19: {  	s7 =	sld [smem:$0x3F9E]  }
0x1a: {  	s8 =	sadd.s32 $0xFFFFE003, lr  }
0x1b: {  	s9 =	sadd.s32 $0xFFFFFEF7, lr;
	s5 =	simm.s32 $0xFFFFFFFF;
	p2 =	slt.u32 s8, $0xFFFFF086  }
0x1c: {  	p1 =	slt.u32 s9, $0xF7A;
	s5 =	simm.s32 @!p2 $0x0  }
0x1d: {  	s5 =	simm.s32 @p1 $0x1;
	p0 =	seq.s32 s7, s2  }
0x1e: {  	s7 =	smul.u32 @!p0 $0xF7A, s2;
	p2 =	seq.s32 @!p0 s5, $0x0  }
0x1f: {  	s9 =	smul.u32 $0xF7A, s1;
	s8 =	simm.s32 @!p0 $0x1BF5;
	p2 =	por !p2, p0  }
0x20: {  	[sflag:s8] =	ssyncset.s32 @!p0 $0xFFFFF086;
	s6 =	sadd.s32 @!p0 s3, s7;
	s7 =	simm.s32 @!p0 $0x108  }
0x21: {  	s3 =	sadd.s32 s3, s9;
	s6 =	sadd.s32 @!p0 $0x88, s6;
	s7 =	simm.s32 @p2 $0x1082  }
0x22: {  	[simem:s7], [sflag:s8] =	dma.local @!p0 [hbm:s6], $0xF7A  }
0x23: {  	s9 =	sor.u32 $0xD0000000, s2;
	s6 =	simm.s32 $0x108;
	_ =	swait.ge @!p0 [sflag:s8], $0x0  }
0x24: {  	s3 =	sadd.s32 $0x88, s3;
	s6 =	simm.s32 @!p1 $0x1082;
	[sflag:s4] =	ssyncset.s32 $0xFFFFF086  }
0x25: {  	[simem:s6], [sflag:s4] =	dma.local [hbm:s3], $0xF7A  }
0x26: {  	[smem:$0x3F9E] =	sst s1;
	(tag) =	ssettag s2;
	_ =	strace s9  }
0x27: {  	s1 =	sld [smem:$0x3FAE]  }
0x28: {  	s2 =	sld [smem:$0x3FAF]  }
0x29: {  	s4 =	sld [smem:$0x3FB1]  }
0x2a: {  	p0 =	seq.s32 s5, $0x0;
	s5 =	sld [smem:$0x3FB2]  }
0x2b: {  	s6 =	sld [smem:$0x3FB3]  }
0x2c: {  	s7 =	sld [smem:$0x3FB4]  }
0x2d: {  	s3 =	simm.s32 $0x108;
	s8 =	sld [smem:$0x3FB5]  }
0x2e: {  	s3 =	simm.s32 @!p0 $0x1082;
	s9 =	sld [smem:$0x3FB6]  }
0x2f: {  	lr =	sadd.s32 s0, s3;
	s0 =	sld [smem:$0x3FAD]  }
0x30: {  	s3 =	sld [smem:$0x3FB0]  }
0x31: {  	[smem:$0x3FB9] =	sst s10  }
0x32: {  	s10 =	sld [smem:$0x3FB7];
	_ =	sdelay $0x3  }
0x33: {  	p0 =	seq.s32 s10, $0x1;
	s10 =	sld [smem:$0x3FB9];
	_ =	sdelay $0x3  }
0x34: {  	[smem:$0x3FB9] =	sst s10  }
0x35: {  	s10 =	sld [smem:$0x3FB8];
	_ =	sdelay $0x3  }
0x36: {  	p1 =	seq.s32 s10, $0x1;
	s10 =	sld [smem:$0x3FB9];
	_ =	sdelay $0x3  }
0x37: {  	[smem:$0x3FB9] =	sst s10  }
0x38: {  	s10 =	sld [smem:$0x3FBA]  }
0x39: {  	_ = 	snop;
	(pc) =	sbr.ind lr, $3  }
0x3a: {  	_ = 	snop  }
0x3b: {  	_ = 	snop  }
0x3c: {  	p2 =	seq.s32 s10, $0x1;
	s10 =	sld [smem:$0x3FB9]  }
0x3d: {  	_ =	shalt  }
0x3e: {  	_ =	shalt  }
0x3f: {  	_ =	shalt  }
0x40: {  	_ =	shalt  }
0x41: {  	_ =	shalt  }
0x42: {  	_ =	shalt  }
0x43: {  	_ =	shalt  }
0x44: {  	_ =	shalt  }
0x45: {  	_ =	shalt  }
0x46: {  	_ =	shalt  }
0x47: {  	_ =	shalt  }
0x48: {  	_ =	shalt  }
0x49: {  	_ =	shalt  }
0x4a: {  	_ =	shalt  }
0x4b: {  	_ =	shalt  }
0x4c: {  	_ =	shalt  }
0x4d: {  	_ =	shalt  }
0x4e: {  	_ =	shalt  }
0x4f: {  	_ =	shalt  }
0x50: {  	_ =	shalt  }
0x51: {  	_ =	shalt  }
0x52: {  	_ =	shalt  }
0x53: {  	_ =	shalt  }
0x54: {  	_ =	shalt  }
0x55: {  	_ =	shalt  }
0x56: {  	_ =	shalt  }
0x57: {  	_ =	shalt  }
0x58: {  	_ =	shalt  }
0x59: {  	_ =	shalt  }
0x5a: {  	_ =	shalt  }
0x5b: {  	_ =	shalt  }
0x5c: {  	_ =	shalt  }
0x5d: {  	_ =	shalt  }
0x5e: {  	_ =	shalt  }
0x5f: {  	_ =	shalt  }
0x60: {  	_ =	shalt  }
0x61: {  	_ =	shalt  }
0x62: {  	_ =	shalt  }
0x63: {  	_ =	shalt  }
0x64: {  	_ =	shalt  }
0x65: {  	_ =	shalt  }
0x66: {  	_ =	shalt  }
0x67: {  	_ =	shalt  }
0x68: {  	_ =	shalt  }
0x69: {  	_ =	shalt  }
0x6a: {  	_ =	shalt  }
0x6b: {  	_ =	shalt  }
0x6c: {  	_ =	shalt  }
0x6d: {  	_ =	shalt  }
0x6e: {  	_ =	shalt  }
0x6f: {  	_ =	shalt  }
0x70: {  	_ =	shalt  }
0x71: {  	_ =	shalt  }
0x72: {  	_ =	shalt  }
0x73: {  	_ =	shalt  }
0x74: {  	_ =	shalt  }
0x75: {  	_ =	shalt  }
0x76: {  	_ =	shalt  }
0x77: {  	_ =	shalt  }
0x78: {  	_ =	shalt  }
0x79: {  	_ =	shalt  }
0x7a: {  	_ =	shalt  }
0x7b: {  	_ =	shalt  }
0x7c: {  	_ =	shalt  }
0x7d: {  	_ =	shalt  }
0x7e: {  	_ =	shalt  }
0x7f: {  	_ =	shalt  }
0x80: {  	_ =	shalt  }
0x81: {  	_ =	shalt  }
0x82: {  	_ =	shalt  }
0x83: {  	_ =	shalt  }
0x84: {  	_ =	shalt  }
0x85: {  	_ =	shalt  }
0x86: {  	_ =	shalt  }
0x87: {  	_ =	shalt  }
.Lfunc_end0:
.L_simem_size_0:
called_computation_lowered:
.L_overlay_start_0:
0x88: {  	s2 =	sld [smem:$0x3FD9]  }
0x89: {  	s3 =	sld [smem:$0x3FFE];
	_ =	sdelay $0x1  }
0x8a: {  	s1 =	srdreg.scid  }
0x8b: {  	s0 =	sand.u32 $0x1, s1  }
0x8c: {  	s14 =	sshll.u32 s0, $0xA;
	s2 =	sadd.s32 s3, s2  }
0x8d: {  	s2 =	sadd.s32 s2, s14  }
0x8e: {  	[smem:$0x3FC5] =	sst s2  }
0x8f: {  	_ = 	snop  }
0x90: {  	s2 =	sld [smem:$0x3FD0];
	_ =	sdelay $0x2  }
0x91: {  	s15 =	simm.s32 $0xA;
	s4 =	simm.s32 $0x10  }
0x92: {  	[smem:s4], [sflag:s15] =	dma.local [hbm:s2], $0x1  }
0x93: {  	_ =	swait.eq [sflag:s15], $0x1  }
0x94: {  	[sflag:s15] =	ssyncset.done $0x0  }
0x95: {  	s16 =	sld [smem:$0x10];
	[sflag:s15] =	ssyncadd.s32 $0xFFFFFFFF  }
0x96: {  	s17 =	sld [smem:$0x11];
	(tm) =	ssettm $0x1  }
0x97: {  	s18 =	sld [smem:$0x3FFB];
	_ =	sdelay $0x3  }
0x98: {  	_ =	strace s18  }
0x99: {  	s4 =	sld [smem:$0x3FFC];
	_ =	sdelay $0x3  }
0x9a: {  	_ =	strace s4  }
0x9b: {  	s4 =	sld [smem:$0x3FFD];
	_ =	sdelay $0x3  }
0x9c: {  	_ =	strace s4  }
0x9d: {  	_ =	strace $0x8FFFFFFF  }
0x9e: {  	s19 =	sld [smem:$0x3FDB];
	_ =	sdelay $0x1  }
0x9f: {  	s5 =	simm.s32 $_scs_section_size  }
0xa0: {  	s6 =	simm.s32 $_size__tile_overlayer_lowered;
	s7 =	simm.s32 $_tile_overlayer_lowered  }
0xa1: {  	s22 =	simm.s32 $0x1BFF;
	s21 =	sshll.u32 s7, $0x1;
	s4 =	sadd.s32 s5, s19  }
0xa2: {  	s8 =	simm.s32 $0x0;
	s20 =	sshll.u32 s6, $0x1;
	s6 =	sadd.s32 s21, s4  }
0xa3: {  	[timem:s8], [sflag:s22] =	dma.local [hbm:s6], s20  }
0xa4: {  	_ =	swait.ge [sflag:s22], s20  }
0xa5: {  	s5 =	ssub.s32 $0x0, s20;
	[sflag:s22] =	ssyncset.done $0x0  }
0xa6: {  	[sflag:s22] =	ssyncadd.s32 s5;
	_ =	sdelay $0x1  }
0xa7: {  	s23 =	simm.s32 $0x1B8B  }
0xa8: {  	_ =	swait.ge [sflag:s23], $0x1  }
0xa9: {  	[sflag:s23] =	ssyncset.done $0x0  }
0xaa: {  	s25 =	simm.s32 $0x1B8E;
	s24 =	sld [smem:$0x3FFE];
	[sflag:s23] =	ssyncadd.s32 $0xFFFFFFFF  }
0xab: {  	s26 =	simm.s32 $execute0_lowered;
	[smem:$0x3FD2] =	sst s25  }
0xac: {  	s6 =	sshll.u32 s26, $0x1;
	_ =	strace $0x80000046;
	[dreg:$0x1] =	wrdreg $0xFFFFFFFF  }
0xad: {  	s28 =	simm.s32 $_size_execute0_lowered;
	s4 =	sadd.s32 s4, s6;
	[dreg:$0x0] =	wrdreg $0x0  }
0xae: {  	s6 =	sshll.u32 s28, $0x1;
	[dreg:$0x2] =	wrdreg s4  }
0xaf: {  	[dreg:$0x3] =	wrdreg s6  }
0xb0: {  	[dreg:$0x4] =	wrdreg $0xC0  }
0xb1: {  	_ =	task [dreg:s8], $0x5FFFF  }
0xb2: {  	[dreg:$0x1] =	wrdreg $0xFFFFFFFF  }
0xb3: {  	[dreg:$0x0] =	wrdreg $0x60  }
0xb4: {  	[dreg:$0x2] =	wrdreg s16  }
0xb5: {  	[dreg:$0x3] =	wrdreg s24  }
0xb6: {  	[dreg:$0x4] =	wrdreg s17  }
0xb7: {  	[dreg:$0x5] =	wrdreg $0x9  }
0xb8: {  	_ =	task.clear_ibuf [dreg:s8], $0x6FFFF;
	_ =	strace $0x90000046  }
0xb9: {  	s29 =	simm.s32 $0x9;
	_ =	strace $0x80000048  }
0xba: {  	_ =	swait.ge [sflag:s29], $0x1  }
0xbb: {  	[sflag:s29] =	ssyncadd.s32 $0xFFFFFFFF  }
0xbc: {  	_ =	strace $0x90000048  }
0xbd: {  	_ =	sfence  }
0xbe: {  	s30 =	sld [smem:$0x0];
	_ =	sdelay $0x2  }
0xbf: {  	s31 =	sshll.u32 s1, $0xD;
	s1 =	sshrl.u32 s1, $0x2  }
0xc0: {  	s3 =	sand.u32 $0x4000, s31;
	s1 =	sadd.s32 s1, s30  }
0xc1: {  	s0 =	sor.u32 s3, s0;
	s1 =	sshll.u32 s1, $0x11  }
0xc2: {  	s0 =	sor.u32 s1, s0  }
0xc3: {  	s0 =	sadd.s32 $0x8F2B, s0  }
0xc4: {  	[sflag:s0] =	ssyncadd.remote.s32 $0x1  }
0xc5: {  	_ =	sfence.sel $0xFFFF  }
0xc6: {  	[dreg:$0x0] =	wrdreg $0xFFFFFFFF;
	(pc) =	sbr.abs _section_cstart, $3  }
0xc7: {  	[dreg:$0x1] =	wrdreg $0xFFFFFFFF  }
0xc8: {  	_ =	task.clear_ibuf [dreg:s8], $0x2FFFF;
	_ =	strace $0x9FFFFFFF  }
0xc9: {  	(tm) =	ssettm $0x7FFFFFFF  }
tec
execute0_lowered:
.L_overlay_start_1:
0x0: {  	(tag) =	ssettag $0x1  }
0x1: {  	s0 =	rddreg [dreg:$0x0];
	s1 =	srdreg.scid  }
0x2: {  	s2 =	stileid.u32;
	s3 =	rddreg [dreg:$0x1]  }
0x3: {  	s19 =	rddreg [dreg:$0x2];
	s21 =	simm.s32 $0x80;
	s22 =	simm.s32 $0x1980  }
0x4: {  	s23 =	simm.s32 $0x5;
	s28 =	simm.s32 $0x4B80;
	s29 =	simm.s32 $0x3  }
0x5: {  	s30 =	simm.s32 $0x4;
	s1 =	sand.u32 $0x1, s1;
	s2 =	sshll.u32 s2, $0x1  }
0x6: {  	s31 =	simm.s32 $0x0;
	s4 =	sor.u32 s1, s2;
	s2 =	simm.s32 $0x0  }
0x7: {  	s1 =	ssub.s32 $0x2, s1;
	s4 =	smul.u32 $0xC800, s4;
	[smem:$0x7FF] =	sst s2  }
0x8: {  	s3 =	sadd.s32 $0x1A00, s3;
	s5 =	sshrl.u32 s1, $0x1;
	_ =	strace $0x80000047  }
0x9: {  	[dreg:$0x4] =	wrdreg s3;
	s1 =	ssub.s32 s1, s5;
	s16 =	sshrl.u32 s4, $0x3  }
0xa: {  	s20 =	smax.u32 s1, $0x1;
	s24 =	sadd.s32 $0x320, s16;
	s4 =	sadd.s32 s0, s16  }
0xb: {  	s10 =	sadd.s32 $0x640, s16;
	s6 =	sadd.s32 s19, s16;
	s12 =	sadd.s32 $0x960, s16  }
0xc: {  	s25 =	sadd.s32 $0xC80, s16;
	s17 =	sadd.s32 $0xFA0, s16;
	s18 =	sadd.s32 $0x12C0, s16  }
0xd: {  	s26 =	sadd.s32 $0x15E0, s16;
	s5 =	sadd.s32 s0, s24;
	s7 =	sadd.s32 s0, s10  }
0xe: {  	s8 =	sadd.s32 s19, s24;
	s9 =	sadd.s32 s0, s12;
	s10 =	sadd.s32 s19, s10  }
0xf: {  	s11 =	sadd.s32 s0, s25;
	s12 =	sadd.s32 s19, s12;
	s13 =	sadd.s32 s0, s17  }
0x10: {  	s14 =	sadd.s32 s19, s25;
	s15 =	sadd.s32 s0, s18;
	s16 =	sadd.s32 s19, s17  }
0x11: {  	s17 =	sadd.s32 s0, s26;
	s18 =	sadd.s32 s19, s18;
	s19 =	sadd.s32 s19, s26  }
0x12: {  	s24 =	simm.s32 $0x1;
	s25 =	simm.s32 $0x3280;
	s26 =	simm.s32 $0x2  }
.LBB2_1:
0x13: {  	[tilespmem:s21], [sflag:$0x1] =	stream.linear.gather [hbm4b:s4+s2], $0x1900, $0x38;
	[tilespmem:$0x6480] =	vst v63  }
0x14: {  	_ = 	snop  }
0x15: {  	[tilespmem:s22], [sflag:$0x2] =	stream.linear.gather [hbm4b:s5+s2], $0x1900, $0x38;
	[tilespmem:$0x6480] =	vst v63  }
0x16: {  	s0 =	rddreg [dreg:$0x4]  }
0x17: {  	[tilespmem:s2], [sflag:$0x5] =	stream.linear.gather [hbm4b:s0+s2], $0x80, $0x38;
	[tilespmem:$0x6480] =	vst v63  }
0x18: {  	_ =	swait.ge [sflag:s23], $0x80  }
0x19: {  	[sflag:s23] =	ssyncset.done $0x0  }
0x1a: {  	[sflag:s23] =	ssyncadd.s32 $0xFFFFFF80  }
0x1b: {  	_ =	swait.ge [sflag:s24], $0x1900  }
0x1c: {  	[sflag:s24] =	ssyncset.done $0x0  }
0x1d: {  	s3 =	simm.s32 $0xC0;
	[sflag:s24] =	ssyncadd.s32 $0xFFFFE700  }
0x1e: {  	v0 =	vld [tilespmem:s3+$0x30]  }
0x1f: {  	v1 =	vld [tilespmem:s3+$0xFFFFFFD0]  }
0x20: {  	v2 =	vld [tilespmem:s3+$0xFFFFFFE0]  }
0x21: {  	v3 =	vld [tilespmem:s3+$0xFFFFFFF0]  }
0x22: {  	v4 =	vld [tilespmem:s3+$0x0]  }
0x23: {  	v6 =	vld [tilespmem:s3+$0x10]  }
0x24: {  	v7 =	vld [tilespmem:s3+$0x20]  }
0x25: {  	v8 =	vld [tilespmem:s3+$0xFFFFFFC0]  }
0x26: {  	v9 =	vld.idx.msk [tilespmem:v0+s2+$0x0], $0xffff  }
0x27: {  	v10 =	vld.idx.msk [tilespmem:v1+s2+$0x0], $0xffff  }
0x28: {  	v5 =	vld.idx.msk [tilespmem:v2+s2+$0x0], $0xffff  }
0x29: {  	v3 =	vld.idx.msk [tilespmem:v3+s2+$0x0], $0xffff  }
0x2a: {  	v0 =	vld.idx.msk [tilespmem:v4+s2+$0x0], $0xffff  }
0x2b: {  	s1 =	simm.s32 $0x32C0;
	v1 =	vld.idx.msk [tilespmem:v6+s2+$0x0], $0xffff  }
0x2c: {  	v2 =	vld.idx.msk [tilespmem:v7+s2+$0x0], $0xffff;
	[tilespmem:s1+$0x30] =	vst v9  }
0x2d: {  	s0 =	simm.s32 $0x0;
	s3 =	simm.s32 $0x140;
	v4 =	vld.idx.msk [tilespmem:v8+s2+$0x0], $0xffff;
	[tilespmem:s1+$0xFFFFFFD0] =	vst v10  }
.LBB2_2:
0x2e: {  	v6 =	vld [tilespmem:s3+$0x30];
	s0 =	sadd.s32 $0x80, s0;
	[tilespmem:s1+$0xFFFFFFE0] =	vst v5  }
0x2f: {  	v5 =	vld [tilespmem:s3+$0xFFFFFFD0];
	p0 =	slt.u32 s0, $0x1880;
	[tilespmem:s1+$0xFFFFFFF0] =	vst v3  }
0x30: {  	v3 =	vld [tilespmem:s3+$0xFFFFFFE0];
	[tilespmem:s1+$0x0] =	vst v0  }
0x31: {  	v0 =	vld [tilespmem:s3+$0xFFFFFFF0];
	[tilespmem:s1+$0x10] =	vst v1  }
0x32: {  	v1 =	vld [tilespmem:s3+$0x0];
	[tilespmem:s1+$0x20] =	vst v2  }
0x33: {  	v2 =	vld [tilespmem:s3+$0x10];
	[tilespmem:s1+$0xFFFFFFC0] =	vst v4  }
0x34: {  	v4 =	vld [tilespmem:s3+$0x20]  }
0x35: {  	v7 =	vld [tilespmem:s3+$0xFFFFFFC0]  }
0x36: {  	v6 =	vld.idx.msk [tilespmem:v6+s2+$0x0], $0xffff  }
0x37: {  	v8 =	vld.idx.msk [tilespmem:v5+s2+$0x0], $0xffff  }
0x38: {  	v5 =	vld.idx.msk [tilespmem:v3+s2+$0x0], $0xffff  }
.Ltmp0:
0x39: {  	v3 =	vld.idx.msk [tilespmem:v0+s2+$0x0], $0xffff;
	(pc) =	sbr.rel @p0 .LBB2_2-.Ltmp0, $4  }
0x3a: {  	v0 =	vld.idx.msk [tilespmem:v1+s2+$0x0], $0xffff  }
0x3b: {  	s1 =	sadd.s32 $0x80, s1;
	v1 =	vld.idx.msk [tilespmem:v2+s2+$0x0], $0xffff  }
0x3c: {  	v2 =	vld.idx.msk [tilespmem:v4+s2+$0x0], $0xffff;
	[tilespmem:s1+$0x30] =	vst v6  }
0x3d: {  	s3 =	sadd.s32 $0x80, s3;
	v4 =	vld.idx.msk [tilespmem:v7+s2+$0x0], $0xffff;
	[tilespmem:s1+$0xFFFFFFD0] =	vst v8  }
0x3e: {  	[tilespmem:s1+$0xFFFFFFE0] =	vst v5  }
0x3f: {  	[tilespmem:s1+$0xFFFFFFF0] =	vst v3  }
0x40: {  	[tilespmem:s1+$0x0] =	vst v0  }
0x41: {  	[tilespmem:s1+$0x10] =	vst v1  }
0x42: {  	[tilespmem:s1+$0x20] =	vst v2  }
0x43: {  	[tilespmem:s1+$0xFFFFFFC0] =	vst v4  }
0x44: {  	[hbm4b:s6+s2] =	stream.linear.scatter [tilespmem:s25], [sflag:$0x3], $0x1900, $0x38;
	[tilespmem:$0x6480] =	vst v63  }
0x45: {  	_ = 	snop  }
0x46: {  	[tilespmem:s21], [sflag:$0x1] =	stream.linear.gather [hbm4b:s7+s2], $0x1900, $0x38;
	[tilespmem:$0x6480] =	vst v63  }
0x47: {  	_ =	swait.ge [sflag:s26], $0x1900  }
0x48: {  	[sflag:s26] =	ssyncset.done $0x0  }
0x49: {  	s0 =	simm.s32 $0x19C0;
	[sflag:s26] =	ssyncadd.s32 $0xFFFFE700  }
0x4a: {  	v0 =	vld [tilespmem:s0+$0x30]  }
0x4b: {  	v1 =	vld [tilespmem:s0+$0xFFFFFFD0]  }
0x4c: {  	v2 =	vld [tilespmem:s0+$0xFFFFFFE0]  }
0x4d: {  	v3 =	vld [tilespmem:s0+$0xFFFFFFF0]  }
0x4e: {  	v4 =	vld [tilespmem:s0+$0x0]  }
0x4f: {  	v6 =	vld [tilespmem:s0+$0x10]  }
0x50: {  	v7 =	vld [tilespmem:s0+$0x20]  }
0x51: {  	v8 =	vld [tilespmem:s0+$0xFFFFFFC0]  }
0x52: {  	v9 =	vld.idx.msk [tilespmem:v0+s2+$0x0], $0xffff  }
0x53: {  	v10 =	vld.idx.msk [tilespmem:v1+s2+$0x0], $0xffff  }
0x54: {  	v5 =	vld.idx.msk [tilespmem:v2+s2+$0x0], $0xffff  }
0x55: {  	v3 =	vld.idx.msk [tilespmem:v3+s2+$0x0], $0xffff  }
0x56: {  	v0 =	vld.idx.msk [tilespmem:v4+s2+$0x0], $0xffff  }
0x57: {  	s1 =	simm.s32 $0x4BC0;
	v1 =	vld.idx.msk [tilespmem:v6+s2+$0x0], $0xffff  }
0x58: {  	v2 =	vld.idx.msk [tilespmem:v7+s2+$0x0], $0xffff;
	[tilespmem:s1+$0x30] =	vst v9  }
0x59: {  	s3 =	simm.s32 $0x1A40;
	s0 =	simm.s32 $0x0;
	v4 =	vld.idx.msk [tilespmem:v8+s2+$0x0], $0xffff;
	[tilespmem:s1+$0xFFFFFFD0] =	vst v10  }
.LBB2_4:
0x5a: {  	v6 =	vld [tilespmem:s3+$0x30];
	s0 =	sadd.s32 $0x80, s0;
	[tilespmem:s1+$0xFFFFFFE0] =	vst v5  }
0x5b: {  	v5 =	vld [tilespmem:s3+$0xFFFFFFD0];
	p0 =	slt.u32 s0, $0x1880;
	[tilespmem:s1+$0xFFFFFFF0] =	vst v3  }
0x5c: {  	v3 =	vld [tilespmem:s3+$0xFFFFFFE0];
	[tilespmem:s1+$0x0] =	vst v0  }
0x5d: {  	v0 =	vld [tilespmem:s3+$0xFFFFFFF0];
	[tilespmem:s1+$0x10] =	vst v1  }
0x5e: {  	v1 =	vld [tilespmem:s3+$0x0];
	[tilespmem:s1+$0x20] =	vst v2  }
0x5f: {  	v2 =	vld [tilespmem:s3+$0x10];
	[tilespmem:s1+$0xFFFFFFC0] =	vst v4  }
0x60: {  	v4 =	vld [tilespmem:s3+$0x20]  }
0x61: {  	v7 =	vld [tilespmem:s3+$0xFFFFFFC0]  }
0x62: {  	v6 =	vld.idx.msk [tilespmem:v6+s2+$0x0], $0xffff  }
0x63: {  	v8 =	vld.idx.msk [tilespmem:v5+s2+$0x0], $0xffff  }
0x64: {  	v5 =	vld.idx.msk [tilespmem:v3+s2+$0x0], $0xffff  }
.Ltmp1:
0x65: {  	v3 =	vld.idx.msk [tilespmem:v0+s2+$0x0], $0xffff;
	(pc) =	sbr.rel @p0 .LBB2_4-.Ltmp1, $4  }
0x66: {  	v0 =	vld.idx.msk [tilespmem:v1+s2+$0x0], $0xffff  }
0x67: {  	s1 =	sadd.s32 $0x80, s1;
	v1 =	vld.idx.msk [tilespmem:v2+s2+$0x0], $0xffff  }
0x68: {  	v2 =	vld.idx.msk [tilespmem:v4+s2+$0x0], $0xffff;
	[tilespmem:s1+$0x30] =	vst v6  }
0x69: {  	s3 =	sadd.s32 $0x80, s3;
	v4 =	vld.idx.msk [tilespmem:v7+s2+$0x0], $0xffff;
	[tilespmem:s1+$0xFFFFFFD0] =	vst v8  }
0x6a: {  	[tilespmem:s1+$0xFFFFFFE0] =	vst v5  }
0x6b: {  	[tilespmem:s1+$0xFFFFFFF0] =	vst v3  }
0x6c: {  	[tilespmem:s1+$0x0] =	vst v0  }
0x6d: {  	[tilespmem:s1+$0x10] =	vst v1  }
0x6e: {  	[tilespmem:s1+$0x20] =	vst v2  }
0x6f: {  	[tilespmem:s1+$0xFFFFFFC0] =	vst v4  }
0x70: {  	[hbm4b:s8+s2] =	stream.linear.scatter [tilespmem:s28], [sflag:$0x4], $0x1900, $0x38;
	[tilespmem:$0x6480] =	vst v63  }
0x71: {  	_ = 	snop  }
0x72: {  	[tilespmem:s22], [sflag:$0x2] =	stream.linear.gather [hbm4b:s9+s2], $0x1900, $0x38;
	[tilespmem:$0x6480] =	vst v63  }
0x73: {  	_ =	swait.ge [sflag:s24], $0x1900  }
0x74: {  	[sflag:s24] =	ssyncset.done $0x0  }
0x75: {  	[sflag:s24] =	ssyncadd.s32 $0xFFFFE700  }
0x76: {  	_ =	swait.ge [sflag:s29], $0x1900  }
0x77: {  	[sflag:s29] =	ssyncset.done $0x0  }
0x78: {  	s0 =	simm.s32 $0xC0;
	[sflag:s29] =	ssyncadd.s32 $0xFFFFE700  }
0x79: {  	v0 =	vld [tilespmem:s0+$0x30]  }
0x7a: {  	v1 =	vld [tilespmem:s0+$0xFFFFFFD0]  }
0x7b: {  	v2 =	vld [tilespmem:s0+$0xFFFFFFE0]  }
0x7c: {  	v3 =	vld [tilespmem:s0+$0xFFFFFFF0]  }
0x7d: {  	v4 =	vld [tilespmem:s0+$0x0]  }
0x7e: {  	v6 =	vld [tilespmem:s0+$0x10]  }
0x7f: {  	v7 =	vld [tilespmem:s0+$0x20]  }
0x80: {  	v8 =	vld [tilespmem:s0+$0xFFFFFFC0]  }
0x81: {  	v9 =	vld.idx.msk [tilespmem:v0+s2+$0x0], $0xffff  }
0x82: {  	v10 =	vld.idx.msk [tilespmem:v1+s2+$0x0], $0xffff  }
0x83: {  	v5 =	vld.idx.msk [tilespmem:v2+s2+$0x0], $0xffff  }
0x84: {  	v3 =	vld.idx.msk [tilespmem:v3+s2+$0x0], $0xffff  }
0x85: {  	v0 =	vld.idx.msk [tilespmem:v4+s2+$0x0], $0xffff  }
0x86: {  	s1 =	simm.s32 $0x32C0;
	v1 =	vld.idx.msk [tilespmem:v6+s2+$0x0], $0xffff  }
0x87: {  	v2 =	vld.idx.msk [tilespmem:v7+s2+$0x0], $0xffff;
	[tilespmem:s1+$0x30] =	vst v9  }
0x88: {  	s3 =	simm.s32 $0x140;
	s0 =	simm.s32 $0x0;
	v4 =	vld.idx.msk [tilespmem:v8+s2+$0x0], $0xffff;
	[tilespmem:s1+$0xFFFFFFD0] =	vst v10  }
.LBB2_6:
0x89: {  	v6 =	vld [tilespmem:s3+$0x30];
	s0 =	sadd.s32 $0x80, s0;
	[tilespmem:s1+$0xFFFFFFE0] =	vst v5  }
0x8a: {  	v5 =	vld [tilespmem:s3+$0xFFFFFFD0];
	p0 =	slt.u32 s0, $0x1880;
	[tilespmem:s1+$0xFFFFFFF0] =	vst v3  }
0x8b: {  	v3 =	vld [tilespmem:s3+$0xFFFFFFE0];
	[tilespmem:s1+$0x0] =	vst v0  }
0x8c: {  	v0 =	vld [tilespmem:s3+$0xFFFFFFF0];
	[tilespmem:s1+$0x10] =	vst v1  }
0x8d: {  	v1 =	vld [tilespmem:s3+$0x0];
	[tilespmem:s1+$0x20] =	vst v2  }
0x8e: {  	v2 =	vld [tilespmem:s3+$0x10];
	[tilespmem:s1+$0xFFFFFFC0] =	vst v4  }
0x8f: {  	v4 =	vld [tilespmem:s3+$0x20]  }
0x90: {  	v7 =	vld [tilespmem:s3+$0xFFFFFFC0]  }
0x91: {  	v6 =	vld.idx.msk [tilespmem:v6+s2+$0x0], $0xffff  }
0x92: {  	v8 =	vld.idx.msk [tilespmem:v5+s2+$0x0], $0xffff  }
0x93: {  	v5 =	vld.idx.msk [tilespmem:v3+s2+$0x0], $0xffff  }
.Ltmp2:
0x94: {  	v3 =	vld.idx.msk [tilespmem:v0+s2+$0x0], $0xffff;
	(pc) =	sbr.rel @p0 .LBB2_6-.Ltmp2, $4  }
0x95: {  	v0 =	vld.idx.msk [tilespmem:v1+s2+$0x0], $0xffff  }
0x96: {  	s1 =	sadd.s32 $0x80, s1;
	v1 =	vld.idx.msk [tilespmem:v2+s2+$0x0], $0xffff  }
0x97: {  	v2 =	vld.idx.msk [tilespmem:v4+s2+$0x0], $0xffff;
	[tilespmem:s1+$0x30] =	vst v6  }
0x98: {  	s3 =	sadd.s32 $0x80, s3;
	v4 =	vld.idx.msk [tilespmem:v7+s2+$0x0], $0xffff;
	[tilespmem:s1+$0xFFFFFFD0] =	vst v8  }
0x99: {  	[tilespmem:s1+$0xFFFFFFE0] =	vst v5  }
0x9a: {  	[tilespmem:s1+$0xFFFFFFF0] =	vst v3  }
0x9b: {  	[tilespmem:s1+$0x0] =	vst v0  }
0x9c: {  	[tilespmem:s1+$0x10] =	vst v1  }
0x9d: {  	[tilespmem:s1+$0x20] =	vst v2  }
0x9e: {  	[tilespmem:s1+$0xFFFFFFC0] =	vst v4  }
0x9f: {  	[hbm4b:s10+s2] =	stream.linear.scatter [tilespmem:s25], [sflag:$0x3], $0x1900, $0x38;
	[tilespmem:$0x6480] =	vst v63  }
0xa0: {  	_ = 	snop  }
0xa1: {  	[tilespmem:s21], [sflag:$0x1] =	stream.linear.gather [hbm4b:s11+s2], $0x1900, $0x38;
	[tilespmem:$0x6480] =	vst v63  }
0xa2: {  	_ =	swait.ge [sflag:s26], $0x1900  }
0xa3: {  	[sflag:s26] =	ssyncset.done $0x0  }
0xa4: {  	[sflag:s26] =	ssyncadd.s32 $0xFFFFE700  }
0xa5: {  	_ =	swait.ge [sflag:s30], $0x1900  }
0xa6: {  	[sflag:s30] =	ssyncset.done $0x0  }
0xa7: {  	s0 =	simm.s32 $0x19C0;
	[sflag:s30] =	ssyncadd.s32 $0xFFFFE700  }
0xa8: {  	v0 =	vld [tilespmem:s0+$0x30]  }
0xa9: {  	v1 =	vld [tilespmem:s0+$0xFFFFFFD0]  }
0xaa: {  	v2 =	vld [tilespmem:s0+$0xFFFFFFE0]  }
0xab: {  	v3 =	vld [tilespmem:s0+$0xFFFFFFF0]  }
0xac: {  	v4 =	vld [tilespmem:s0+$0x0]  }
0xad: {  	v6 =	vld [tilespmem:s0+$0x10]  }
0xae: {  	v7 =	vld [tilespmem:s0+$0x20]  }
0xaf: {  	v8 =	vld [tilespmem:s0+$0xFFFFFFC0]  }
0xb0: {  	v9 =	vld.idx.msk [tilespmem:v0+s2+$0x0], $0xffff  }
0xb1: {  	v10 =	vld.idx.msk [tilespmem:v1+s2+$0x0], $0xffff  }
0xb2: {  	v5 =	vld.idx.msk [tilespmem:v2+s2+$0x0], $0xffff  }
0xb3: {  	v3 =	vld.idx.msk [tilespmem:v3+s2+$0x0], $0xffff  }
0xb4: {  	v0 =	vld.idx.msk [tilespmem:v4+s2+$0x0], $0xffff  }
0xb5: {  	s1 =	simm.s32 $0x4BC0;
	v1 =	vld.idx.msk [tilespmem:v6+s2+$0x0], $0xffff  }
0xb6: {  	v2 =	vld.idx.msk [tilespmem:v7+s2+$0x0], $0xffff;
	[tilespmem:s1+$0x30] =	vst v9  }
0xb7: {  	s3 =	simm.s32 $0x1A40;
	s0 =	simm.s32 $0x0;
	v4 =	vld.idx.msk [tilespmem:v8+s2+$0x0], $0xffff;
	[tilespmem:s1+$0xFFFFFFD0] =	vst v10  }
.LBB2_8:
0xb8: {  	v6 =	vld [tilespmem:s3+$0x30];
	s0 =	sadd.s32 $0x80, s0;
	[tilespmem:s1+$0xFFFFFFE0] =	vst v5  }
0xb9: {  	v5 =	vld [tilespmem:s3+$0xFFFFFFD0];
	p0 =	slt.u32 s0, $0x1880;
	[tilespmem:s1+$0xFFFFFFF0] =	vst v3  }
0xba: {  	v3 =	vld [tilespmem:s3+$0xFFFFFFE0];
	[tilespmem:s1+$0x0] =	vst v0  }
0xbb: {  	v0 =	vld [tilespmem:s3+$0xFFFFFFF0];
	[tilespmem:s1+$0x10] =	vst v1  }
0xbc: {  	v1 =	vld [tilespmem:s3+$0x0];
	[tilespmem:s1+$0x20] =	vst v2  }
0xbd: {  	v2 =	vld [tilespmem:s3+$0x10];
	[tilespmem:s1+$0xFFFFFFC0] =	vst v4  }
0xbe: {  	v4 =	vld [tilespmem:s3+$0x20]  }
0xbf: {  	v7 =	vld [tilespmem:s3+$0xFFFFFFC0]  }
0xc0: {  	v6 =	vld.idx.msk [tilespmem:v6+s2+$0x0], $0xffff  }
0xc1: {  	v8 =	vld.idx.msk [tilespmem:v5+s2+$0x0], $0xffff  }
0xc2: {  	v5 =	vld.idx.msk [tilespmem:v3+s2+$0x0], $0xffff  }
.Ltmp3:
0xc3: {  	v3 =	vld.idx.msk [tilespmem:v0+s2+$0x0], $0xffff;
	(pc) =	sbr.rel @p0 .LBB2_8-.Ltmp3, $4  }
0xc4: {  	v0 =	vld.idx.msk [tilespmem:v1+s2+$0x0], $0xffff  }
0xc5: {  	s1 =	sadd.s32 $0x80, s1;
	v1 =	vld.idx.msk [tilespmem:v2+s2+$0x0], $0xffff  }
0xc6: {  	v2 =	vld.idx.msk [tilespmem:v4+s2+$0x0], $0xffff;
	[tilespmem:s1+$0x30] =	vst v6  }
0xc7: {  	s3 =	sadd.s32 $0x80, s3;
	v4 =	vld.idx.msk [tilespmem:v7+s2+$0x0], $0xffff;
	[tilespmem:s1+$0xFFFFFFD0] =	vst v8  }
0xc8: {  	[tilespmem:s1+$0xFFFFFFE0] =	vst v5  }
0xc9: {  	[tilespmem:s1+$0xFFFFFFF0] =	vst v3  }
0xca: {  	[tilespmem:s1+$0x0] =	vst v0  }
0xcb: {  	[tilespmem:s1+$0x10] =	vst v1  }
0xcc: {  	[tilespmem:s1+$0x20] =	vst v2  }
0xcd: {  	[tilespmem:s1+$0xFFFFFFC0] =	vst v4  }
0xce: {  	[hbm4b:s12+s2] =	stream.linear.scatter [tilespmem:s28], [sflag:$0x4], $0x1900, $0x38;
	[tilespmem:$0x6480] =	vst v63  }
0xcf: {  	_ = 	snop  }
0xd0: {  	[tilespmem:s22], [sflag:$0x2] =	stream.linear.gather [hbm4b:s13+s2], $0x1900, $0x38;
	[tilespmem:$0x6480] =	vst v63  }
0xd1: {  	_ =	swait.ge [sflag:s24], $0x1900  }
0xd2: {  	[sflag:s24] =	ssyncset.done $0x0  }
0xd3: {  	[sflag:s24] =	ssyncadd.s32 $0xFFFFE700  }
0xd4: {  	_ =	swait.ge [sflag:s29], $0x1900  }
0xd5: {  	[sflag:s29] =	ssyncset.done $0x0  }
0xd6: {  	s0 =	simm.s32 $0xC0;
	[sflag:s29] =	ssyncadd.s32 $0xFFFFE700  }
0xd7: {  	v0 =	vld [tilespmem:s0+$0x30]  }
0xd8: {  	v1 =	vld [tilespmem:s0+$0xFFFFFFD0]  }
0xd9: {  	v2 =	vld [tilespmem:s0+$0xFFFFFFE0]  }
0xda: {  	v3 =	vld [tilespmem:s0+$0xFFFFFFF0]  }
0xdb: {  	v4 =	vld [tilespmem:s0+$0x0]  }
0xdc: {  	v6 =	vld [tilespmem:s0+$0x10]  }
0xdd: {  	v7 =	vld [tilespmem:s0+$0x20]  }
0xde: {  	v8 =	vld [tilespmem:s0+$0xFFFFFFC0]  }
0xdf: {  	v9 =	vld.idx.msk [tilespmem:v0+s2+$0x0], $0xffff  }
0xe0: {  	v10 =	vld.idx.msk [tilespmem:v1+s2+$0x0], $0xffff  }
0xe1: {  	v5 =	vld.idx.msk [tilespmem:v2+s2+$0x0], $0xffff  }
0xe2: {  	v3 =	vld.idx.msk [tilespmem:v3+s2+$0x0], $0xffff  }
0xe3: {  	v0 =	vld.idx.msk [tilespmem:v4+s2+$0x0], $0xffff  }
0xe4: {  	s1 =	simm.s32 $0x32C0;
	v1 =	vld.idx.msk [tilespmem:v6+s2+$0x0], $0xffff  }
0xe5: {  	v2 =	vld.idx.msk [tilespmem:v7+s2+$0x0], $0xffff;
	[tilespmem:s1+$0x30] =	vst v9  }
0xe6: {  	s3 =	simm.s32 $0x140;
	s0 =	simm.s32 $0x0;
	v4 =	vld.idx.msk [tilespmem:v8+s2+$0x0], $0xffff;
	[tilespmem:s1+$0xFFFFFFD0] =	vst v10  }
.LBB2_10:
0xe7: {  	v6 =	vld [tilespmem:s3+$0x30];
	s0 =	sadd.s32 $0x80, s0;
	[tilespmem:s1+$0xFFFFFFE0] =	vst v5  }
0xe8: {  	v5 =	vld [tilespmem:s3+$0xFFFFFFD0];
	p0 =	slt.u32 s0, $0x1880;
	[tilespmem:s1+$0xFFFFFFF0] =	vst v3  }
0xe9: {  	v3 =	vld [tilespmem:s3+$0xFFFFFFE0];
	[tilespmem:s1+$0x0] =	vst v0  }
0xea: {  	v0 =	vld [tilespmem:s3+$0xFFFFFFF0];
	[tilespmem:s1+$0x10] =	vst v1  }
0xeb: {  	v1 =	vld [tilespmem:s3+$0x0];
	[tilespmem:s1+$0x20] =	vst v2  }
0xec: {  	v2 =	vld [tilespmem:s3+$0x10];
	[tilespmem:s1+$0xFFFFFFC0] =	vst v4  }
0xed: {  	v4 =	vld [tilespmem:s3+$0x20]  }
0xee: {  	v7 =	vld [tilespmem:s3+$0xFFFFFFC0]  }
0xef: {  	v6 =	vld.idx.msk [tilespmem:v6+s2+$0x0], $0xffff  }
0xf0: {  	v8 =	vld.idx.msk [tilespmem:v5+s2+$0x0], $0xffff  }
0xf1: {  	v5 =	vld.idx.msk [tilespmem:v3+s2+$0x0], $0xffff  }
.Ltmp4:
0xf2: {  	v3 =	vld.idx.msk [tilespmem:v0+s2+$0x0], $0xffff;
	(pc) =	sbr.rel @p0 .LBB2_10-.Ltmp4, $4  }
0xf3: {  	v0 =	vld.idx.msk [tilespmem:v1+s2+$0x0], $0xffff  }
0xf4: {  	s1 =	sadd.s32 $0x80, s1;
	v1 =	vld.idx.msk [tilespmem:v2+s2+$0x0], $0xffff  }
0xf5: {  	v2 =	vld.idx.msk [tilespmem:v4+s2+$0x0], $0xffff;
	[tilespmem:s1+$0x30] =	vst v6  }
0xf6: {  	s3 =	sadd.s32 $0x80, s3;
	v4 =	vld.idx.msk [tilespmem:v7+s2+$0x0], $0xffff;
	[tilespmem:s1+$0xFFFFFFD0] =	vst v8  }
0xf7: {  	[tilespmem:s1+$0xFFFFFFE0] =	vst v5  }
0xf8: {  	[tilespmem:s1+$0xFFFFFFF0] =	vst v3  }
0xf9: {  	[tilespmem:s1+$0x0] =	vst v0  }
0xfa: {  	[tilespmem:s1+$0x10] =	vst v1  }
0xfb: {  	[tilespmem:s1+$0x20] =	vst v2  }
0xfc: {  	[tilespmem:s1+$0xFFFFFFC0] =	vst v4  }
0xfd: {  	[hbm4b:s14+s2] =	stream.linear.scatter [tilespmem:s25], [sflag:$0x3], $0x1900, $0x38;
	[tilespmem:$0x6480] =	vst v63  }
0xfe: {  	_ = 	snop  }
0xff: {  	[tilespmem:s21], [sflag:$0x1] =	stream.linear.gather [hbm4b:s15+s2], $0x1900, $0x38;
	[tilespmem:$0x6480] =	vst v63  }
0x100: {  	_ =	swait.ge [sflag:s26], $0x1900  }
0x101: {  	[sflag:s26] =	ssyncset.done $0x0  }
0x102: {  	[sflag:s26] =	ssyncadd.s32 $0xFFFFE700  }
0x103: {  	_ =	swait.ge [sflag:s30], $0x1900  }
0x104: {  	[sflag:s30] =	ssyncset.done $0x0  }
0x105: {  	s0 =	simm.s32 $0x19C0;
	[sflag:s30] =	ssyncadd.s32 $0xFFFFE700  }
0x106: {  	v0 =	vld [tilespmem:s0+$0x30]  }
0x107: {  	v1 =	vld [tilespmem:s0+$0xFFFFFFD0]  }
0x108: {  	v2 =	vld [tilespmem:s0+$0xFFFFFFE0]  }
0x109: {  	v3 =	vld [tilespmem:s0+$0xFFFFFFF0]  }
0x10a: {  	v4 =	vld [tilespmem:s0+$0x0]  }
0x10b: {  	v6 =	vld [tilespmem:s0+$0x10]  }
0x10c: {  	v7 =	vld [tilespmem:s0+$0x20]  }
0x10d: {  	v8 =	vld [tilespmem:s0+$0xFFFFFFC0]  }
0x10e: {  	v9 =	vld.idx.msk [tilespmem:v0+s2+$0x0], $0xffff  }
0x10f: {  	v10 =	vld.idx.msk [tilespmem:v1+s2+$0x0], $0xffff  }
0x110: {  	v5 =	vld.idx.msk [tilespmem:v2+s2+$0x0], $0xffff  }
0x111: {  	v3 =	vld.idx.msk [tilespmem:v3+s2+$0x0], $0xffff  }
0x112: {  	v0 =	vld.idx.msk [tilespmem:v4+s2+$0x0], $0xffff  }
0x113: {  	s1 =	simm.s32 $0x4BC0;
	v1 =	vld.idx.msk [tilespmem:v6+s2+$0x0], $0xffff  }
0x114: {  	v2 =	vld.idx.msk [tilespmem:v7+s2+$0x0], $0xffff;
	[tilespmem:s1+$0x30] =	vst v9  }
0x115: {  	s3 =	simm.s32 $0x1A40;
	s0 =	simm.s32 $0x0;
	v4 =	vld.idx.msk [tilespmem:v8+s2+$0x0], $0xffff;
	[tilespmem:s1+$0xFFFFFFD0] =	vst v10  }
.LBB2_12:
0x116: {  	v6 =	vld [tilespmem:s3+$0x30];
	s0 =	sadd.s32 $0x80, s0;
	[tilespmem:s1+$0xFFFFFFE0] =	vst v5  }
0x117: {  	v5 =	vld [tilespmem:s3+$0xFFFFFFD0];
	p0 =	slt.u32 s0, $0x1880;
	[tilespmem:s1+$0xFFFFFFF0] =	vst v3  }
0x118: {  	v3 =	vld [tilespmem:s3+$0xFFFFFFE0];
	[tilespmem:s1+$0x0] =	vst v0  }
0x119: {  	v0 =	vld [tilespmem:s3+$0xFFFFFFF0];
	[tilespmem:s1+$0x10] =	vst v1  }
0x11a: {  	v1 =	vld [tilespmem:s3+$0x0];
	[tilespmem:s1+$0x20] =	vst v2  }
0x11b: {  	v2 =	vld [tilespmem:s3+$0x10];
	[tilespmem:s1+$0xFFFFFFC0] =	vst v4  }
0x11c: {  	v4 =	vld [tilespmem:s3+$0x20]  }
0x11d: {  	v7 =	vld [tilespmem:s3+$0xFFFFFFC0]  }
0x11e: {  	v6 =	vld.idx.msk [tilespmem:v6+s2+$0x0], $0xffff  }
0x11f: {  	v8 =	vld.idx.msk [tilespmem:v5+s2+$0x0], $0xffff  }
0x120: {  	v5 =	vld.idx.msk [tilespmem:v3+s2+$0x0], $0xffff  }
.Ltmp5:
0x121: {  	v3 =	vld.idx.msk [tilespmem:v0+s2+$0x0], $0xffff;
	(pc) =	sbr.rel @p0 .LBB2_12-.Ltmp5, $4  }
0x122: {  	v0 =	vld.idx.msk [tilespmem:v1+s2+$0x0], $0xffff  }
0x123: {  	s1 =	sadd.s32 $0x80, s1;
	v1 =	vld.idx.msk [tilespmem:v2+s2+$0x0], $0xffff  }
0x124: {  	v2 =	vld.idx.msk [tilespmem:v4+s2+$0x0], $0xffff;
	[tilespmem:s1+$0x30] =	vst v6  }
0x125: {  	s3 =	sadd.s32 $0x80, s3;
	v4 =	vld.idx.msk [tilespmem:v7+s2+$0x0], $0xffff;
	[tilespmem:s1+$0xFFFFFFD0] =	vst v8  }
0x126: {  	[tilespmem:s1+$0xFFFFFFE0] =	vst v5  }
0x127: {  	[tilespmem:s1+$0xFFFFFFF0] =	vst v3  }
0x128: {  	[tilespmem:s1+$0x0] =	vst v0  }
0x129: {  	[tilespmem:s1+$0x10] =	vst v1  }
0x12a: {  	[tilespmem:s1+$0x20] =	vst v2  }
0x12b: {  	[tilespmem:s1+$0xFFFFFFC0] =	vst v4  }
0x12c: {  	[hbm4b:s16+s2] =	stream.linear.scatter [tilespmem:s28], [sflag:$0x4], $0x1900, $0x38;
	[tilespmem:$0x6480] =	vst v63  }
0x12d: {  	_ = 	snop  }
0x12e: {  	[tilespmem:s22], [sflag:$0x2] =	stream.linear.gather [hbm4b:s17+s2], $0x1900, $0x38;
	[tilespmem:$0x6480] =	vst v63  }
0x12f: {  	_ =	swait.ge [sflag:s24], $0x1900  }
0x130: {  	[sflag:s24] =	ssyncset.done $0x0  }
0x131: {  	[sflag:s24] =	ssyncadd.s32 $0xFFFFE700  }
0x132: {  	_ =	swait.ge [sflag:s29], $0x1900  }
0x133: {  	[sflag:s29] =	ssyncset.done $0x0  }
0x134: {  	s0 =	simm.s32 $0xC0;
	[sflag:s29] =	ssyncadd.s32 $0xFFFFE700  }
0x135: {  	v0 =	vld [tilespmem:s0+$0x30]  }
0x136: {  	v1 =	vld [tilespmem:s0+$0xFFFFFFD0]  }
0x137: {  	v2 =	vld [tilespmem:s0+$0xFFFFFFE0]  }
0x138: {  	v3 =	vld [tilespmem:s0+$0xFFFFFFF0]  }
0x139: {  	v4 =	vld [tilespmem:s0+$0x0]  }
0x13a: {  	v6 =	vld [tilespmem:s0+$0x10]  }
0x13b: {  	v7 =	vld [tilespmem:s0+$0x20]  }
0x13c: {  	v8 =	vld [tilespmem:s0+$0xFFFFFFC0]  }
0x13d: {  	v9 =	vld.idx.msk [tilespmem:v0+s2+$0x0], $0xffff  }
0x13e: {  	v10 =	vld.idx.msk [tilespmem:v1+s2+$0x0], $0xffff  }
0x13f: {  	v5 =	vld.idx.msk [tilespmem:v2+s2+$0x0], $0xffff  }
0x140: {  	v3 =	vld.idx.msk [tilespmem:v3+s2+$0x0], $0xffff  }
0x141: {  	v0 =	vld.idx.msk [tilespmem:v4+s2+$0x0], $0xffff  }
0x142: {  	s1 =	simm.s32 $0x32C0;
	v1 =	vld.idx.msk [tilespmem:v6+s2+$0x0], $0xffff  }
0x143: {  	v2 =	vld.idx.msk [tilespmem:v7+s2+$0x0], $0xffff;
	[tilespmem:s1+$0x30] =	vst v9  }
0x144: {  	s3 =	simm.s32 $0x140;
	s0 =	simm.s32 $0x0;
	v4 =	vld.idx.msk [tilespmem:v8+s2+$0x0], $0xffff;
	[tilespmem:s1+$0xFFFFFFD0] =	vst v10  }
.LBB2_14:
0x145: {  	v6 =	vld [tilespmem:s3+$0x30];
	s0 =	sadd.s32 $0x80, s0;
	[tilespmem:s1+$0xFFFFFFE0] =	vst v5  }
0x146: {  	v5 =	vld [tilespmem:s3+$0xFFFFFFD0];
	p0 =	slt.u32 s0, $0x1880;
	[tilespmem:s1+$0xFFFFFFF0] =	vst v3  }
0x147: {  	v3 =	vld [tilespmem:s3+$0xFFFFFFE0];
	[tilespmem:s1+$0x0] =	vst v0  }
0x148: {  	v0 =	vld [tilespmem:s3+$0xFFFFFFF0];
	[tilespmem:s1+$0x10] =	vst v1  }
0x149: {  	v1 =	vld [tilespmem:s3+$0x0];
	[tilespmem:s1+$0x20] =	vst v2  }
0x14a: {  	v2 =	vld [tilespmem:s3+$0x10];
	[tilespmem:s1+$0xFFFFFFC0] =	vst v4  }
0x14b: {  	v4 =	vld [tilespmem:s3+$0x20]  }
0x14c: {  	v7 =	vld [tilespmem:s3+$0xFFFFFFC0]  }
0x14d: {  	v6 =	vld.idx.msk [tilespmem:v6+s2+$0x0], $0xffff  }
0x14e: {  	v8 =	vld.idx.msk [tilespmem:v5+s2+$0x0], $0xffff  }
0x14f: {  	v5 =	vld.idx.msk [tilespmem:v3+s2+$0x0], $0xffff  }
.Ltmp6:
0x150: {  	v3 =	vld.idx.msk [tilespmem:v0+s2+$0x0], $0xffff;
	(pc) =	sbr.rel @p0 .LBB2_14-.Ltmp6, $4  }
0x151: {  	v0 =	vld.idx.msk [tilespmem:v1+s2+$0x0], $0xffff  }
0x152: {  	s1 =	sadd.s32 $0x80, s1;
	v1 =	vld.idx.msk [tilespmem:v2+s2+$0x0], $0xffff  }
0x153: {  	v2 =	vld.idx.msk [tilespmem:v4+s2+$0x0], $0xffff;
	[tilespmem:s1+$0x30] =	vst v6  }
0x154: {  	s3 =	sadd.s32 $0x80, s3;
	v4 =	vld.idx.msk [tilespmem:v7+s2+$0x0], $0xffff;
	[tilespmem:s1+$0xFFFFFFD0] =	vst v8  }
0x155: {  	[tilespmem:s1+$0xFFFFFFE0] =	vst v5  }
0x156: {  	[tilespmem:s1+$0xFFFFFFF0] =	vst v3  }
0x157: {  	[tilespmem:s1+$0x0] =	vst v0  }
0x158: {  	[tilespmem:s1+$0x10] =	vst v1  }
0x159: {  	[tilespmem:s1+$0x20] =	vst v2  }
0x15a: {  	[tilespmem:s1+$0xFFFFFFC0] =	vst v4  }
0x15b: {  	[hbm4b:s18+s2] =	stream.linear.scatter [tilespmem:s25], [sflag:$0x3], $0x1900, $0x38;
	[tilespmem:$0x6480] =	vst v63  }
0x15c: {  	_ =	swait.ge [sflag:s26], $0x1900  }
0x15d: {  	[sflag:s26] =	ssyncset.done $0x0  }
0x15e: {  	[sflag:s26] =	ssyncadd.s32 $0xFFFFE700  }
0x15f: {  	_ =	swait.ge [sflag:s30], $0x1900  }
0x160: {  	[sflag:s30] =	ssyncset.done $0x0  }
0x161: {  	s0 =	simm.s32 $0x19C0;
	[sflag:s30] =	ssyncadd.s32 $0xFFFFE700  }
0x162: {  	v0 =	vld [tilespmem:s0+$0x30]  }
0x163: {  	v1 =	vld [tilespmem:s0+$0xFFFFFFD0]  }
0x164: {  	v2 =	vld [tilespmem:s0+$0xFFFFFFE0]  }
0x165: {  	v3 =	vld [tilespmem:s0+$0xFFFFFFF0]  }
0x166: {  	v4 =	vld [tilespmem:s0+$0x0]  }
0x167: {  	v6 =	vld [tilespmem:s0+$0x10]  }
0x168: {  	v7 =	vld [tilespmem:s0+$0x20]  }
0x169: {  	v8 =	vld [tilespmem:s0+$0xFFFFFFC0]  }
0x16a: {  	v9 =	vld.idx.msk [tilespmem:v0+s2+$0x0], $0xffff  }
0x16b: {  	v10 =	vld.idx.msk [tilespmem:v1+s2+$0x0], $0xffff  }
0x16c: {  	v5 =	vld.idx.msk [tilespmem:v2+s2+$0x0], $0xffff  }
0x16d: {  	v3 =	vld.idx.msk [tilespmem:v3+s2+$0x0], $0xffff  }
0x16e: {  	v0 =	vld.idx.msk [tilespmem:v4+s2+$0x0], $0xffff  }
0x16f: {  	s1 =	simm.s32 $0x4BC0;
	v1 =	vld.idx.msk [tilespmem:v6+s2+$0x0], $0xffff  }
0x170: {  	v2 =	vld.idx.msk [tilespmem:v7+s2+$0x0], $0xffff;
	[tilespmem:s1+$0x30] =	vst v9  }
0x171: {  	s3 =	simm.s32 $0x1A40;
	s0 =	simm.s32 $0x0;
	v4 =	vld.idx.msk [tilespmem:v8+s2+$0x0], $0xffff;
	[tilespmem:s1+$0xFFFFFFD0] =	vst v10  }
.LBB2_16:
0x172: {  	v6 =	vld [tilespmem:s3+$0x30];
	s0 =	sadd.s32 $0x80, s0;
	[tilespmem:s1+$0xFFFFFFE0] =	vst v5  }
0x173: {  	v5 =	vld [tilespmem:s3+$0xFFFFFFD0];
	p0 =	slt.u32 s0, $0x1880;
	[tilespmem:s1+$0xFFFFFFF0] =	vst v3  }
0x174: {  	v3 =	vld [tilespmem:s3+$0xFFFFFFE0];
	[tilespmem:s1+$0x0] =	vst v0  }
0x175: {  	v0 =	vld [tilespmem:s3+$0xFFFFFFF0];
	[tilespmem:s1+$0x10] =	vst v1  }
0x176: {  	v1 =	vld [tilespmem:s3+$0x0];
	[tilespmem:s1+$0x20] =	vst v2  }
0x177: {  	v2 =	vld [tilespmem:s3+$0x10];
	[tilespmem:s1+$0xFFFFFFC0] =	vst v4  }
0x178: {  	v4 =	vld [tilespmem:s3+$0x20]  }
0x179: {  	v7 =	vld [tilespmem:s3+$0xFFFFFFC0]  }
0x17a: {  	v6 =	vld.idx.msk [tilespmem:v6+s2+$0x0], $0xffff  }
0x17b: {  	v8 =	vld.idx.msk [tilespmem:v5+s2+$0x0], $0xffff  }
0x17c: {  	v5 =	vld.idx.msk [tilespmem:v3+s2+$0x0], $0xffff  }
.Ltmp7:
0x17d: {  	v3 =	vld.idx.msk [tilespmem:v0+s2+$0x0], $0xffff;
	(pc) =	sbr.rel @p0 .LBB2_16-.Ltmp7, $4  }
0x17e: {  	v0 =	vld.idx.msk [tilespmem:v1+s2+$0x0], $0xffff  }
0x17f: {  	s1 =	sadd.s32 $0x80, s1;
	v1 =	vld.idx.msk [tilespmem:v2+s2+$0x0], $0xffff  }
0x180: {  	v2 =	vld.idx.msk [tilespmem:v4+s2+$0x0], $0xffff;
	[tilespmem:s1+$0x30] =	vst v6  }
0x181: {  	s3 =	sadd.s32 $0x80, s3;
	v4 =	vld.idx.msk [tilespmem:v7+s2+$0x0], $0xffff;
	[tilespmem:s1+$0xFFFFFFD0] =	vst v8  }
0x182: {  	[tilespmem:s1+$0xFFFFFFE0] =	vst v5  }
0x183: {  	[tilespmem:s1+$0xFFFFFFF0] =	vst v3  }
0x184: {  	[tilespmem:s1+$0x0] =	vst v0  }
0x185: {  	[tilespmem:s1+$0x10] =	vst v1  }
0x186: {  	[tilespmem:s1+$0x20] =	vst v2  }
0x187: {  	s31 =	sadd.s32 $0x1, s31;
	[tilespmem:s1+$0xFFFFFFC0] =	vst v4  }
0x188: {  	[hbm4b:s19+s2] =	stream.linear.scatter [tilespmem:s28], [sflag:$0x4], $0x1900, $0x38;
	[tilespmem:$0x6480] =	vst v63  }
0x189: {  	p0 =	sne.s32 s31, s20;
	_ =	swait.ge [sflag:s29], $0x1900  }
.Ltmp8:
0x18a: {  	[sflag:s29] =	ssyncset.done $0x0;
	(pc) =	sbr.rel @p0 .LBB2_1-.Ltmp8, $4  }
0x18b: {  	[sflag:s29] =	ssyncadd.s32 $0xFFFFE700  }
0x18c: {  	_ =	swait.ge [sflag:s30], $0x1900  }
0x18d: {  	[sflag:s30] =	ssyncset.done $0x0  }
0x18e: {  	[sflag:s30] =	ssyncadd.s32 $0xFFFFE700  }
0x18f: {  	_ =	sfence.sel $0x180000  }
0x190: {  	[bflag:$0x0] =	sbarrier.arrive $0xFFFF  }
0x191: {  	_ =	strace $0x90000047  }
0x192: {  	s0 =	stileid.u32;
	[bflag:$0x2] =	sbarrier.arrive $0xFFFF  }
0x193: {  	p0 =	sne.s32 s0, $0x0;
	s0 =	rddreg [dreg:$0x3]  }
0x194: {  	s0 =	sadd.s32 @!p0 $0x100000, s0  }
0x195: {  	[sflag:s0] =	ssyncadd.tile.s32 @!p0 $0x1;
	_ =	shalt  }
.Lfunc_end2:
_tile_overlayer_lowered:
.L_overlay_start_2:
0x196: {  	(tag) =	ssettag $0x2  }
0x197: {  	s0 =	rddreg [dreg:$0x0];
	s2 =	stileid.u32  }
0x198: {  	s1 =	rddreg [dreg:$0x1];
	p0 =	sne.s32 s2, $0x0  }
0x199: {  	s3 =	rddreg [dreg:$0x2];
	[bflag:$0x3] =	sbarrier.arrive $0xFFFF;
	s2 =	simm.s32 @!p0 $0x1C05  }
0x19a: {  	[timem:s3], [sflag:s2] =	dma.local @!p0 [hbm:s0], s1  }
0x19b: {  	s0 =	simm.s32 @!p0 $0x5  }
0x19c: {  	_ =	swait.ge @!p0 [sflag:s0], s1  }
0x19d: {  	s1 =	ssub.s32 @!p0 $0x0, s1;
	[sflag:s0] =	ssyncset.done @!p0 $0x0  }
0x19e: {  	[sflag:s0] =	ssyncadd.s32 @!p0 s1  }
0x19f: {  	[bflag:$0x3] =	sbarrier.arrive $0xFFFF  }
0x1a0: {  	_ =	shalt  }

</sc_bundles>
